<compile_context>
chip_gen: v7x
topology: tpu7x:2x2x1
jax: 0.10.2.dev20260603
libtpu: 0.0.44.dev20260713+nightly
codegen_flags: <defaults>
</compile_context>

<pallas_src>
import functools

import jax
import jax.numpy as jnp
from jax import lax
from jax.experimental import pallas as pl
from jax.experimental.pallas import tpu as pltpu
from jax.experimental.pallas import tpu_sc as plsc

D_EMB = 64
LANES = 16
CHUNK = 128
NBUF = 4


def _pos_body(m_ref, o_ref):
    m = m_ref[...].astype(jnp.float32)
    s = m_ref.shape[1]
    r = lax.broadcasted_iota(jnp.int32, (s, s), 0)
    c = lax.broadcasted_iota(jnp.int32, (s, s), 1)
    tri = (r <= c).astype(jnp.float32)
    cs = jnp.dot(m, tri, preferred_element_type=jnp.float32)
    o_ref[...] = (cs * m).astype(jnp.int32)


def _positions(mask):
    b, s = mask.shape
    bm = 512
    grid = (b // bm,)
    return pl.pallas_call(
        _pos_body,
        grid=grid,
        in_specs=[pl.BlockSpec((bm, s), lambda i: (i, 0))],
        out_specs=pl.BlockSpec((bm, s), lambda i: (i, 0)),
        out_shape=jax.ShapeDtypeStruct((b, s), jnp.int32),
    )(mask)


@functools.cache
def _sc_embed(n_tokens):
    info = plsc.get_sparse_core_info()
    nc, ns = info.num_cores, info.num_subcores
    nw = nc * ns
    per_w = n_tokens // nw
    assert per_w * nw == n_tokens and per_w % (CHUNK * NBUF) == 0
    n_chunks = per_w // CHUNK
    mesh = plsc.VectorSubcoreMesh(core_axis_name="c", subcore_axis_name="s")

    scratch = (
        [pltpu.VMEM((n_chunks, CHUNK), jnp.int32)] * 2
        + [pltpu.VMEM((CHUNK, D_EMB), jnp.float32)] * (2 * NBUF)
        + [pltpu.VMEM_SHARED((201, D_EMB), jnp.float32)]
        + [pltpu.SemaphoreType.DMA] * (3 * NBUF)
    )

    @functools.partial(
        pl.kernel,
        mesh=mesh,
        compiler_params=pltpu.CompilerParams(
            use_tc_tiling_on_sc=False, needs_layout_passes=False
        ),
        out_type=jax.ShapeDtypeStruct((n_tokens, D_EMB), jnp.float32),
        scratch_types=scratch,
    )
    def k(x_h, p_h, emb_h, pe_h, out_h, xi_all, pi_all, *bufs):
        tok = bufs[0:NBUF]
        pos_v = bufs[NBUF:2 * NBUF]
        pe_sh = bufs[2 * NBUF]
        sg = bufs[2 * NBUF + 1:2 * NBUF + 1 + NBUF]
        sp = bufs[2 * NBUF + 1 + NBUF:2 * NBUF + 1 + 2 * NBUF]
        so = bufs[2 * NBUF + 1 + 2 * NBUF:2 * NBUF + 1 + 3 * NBUF]

        sid = lax.axis_index("s")
        wid = sid * nc + lax.axis_index("c")
        base0 = wid * per_w

        @pl.when(sid == 0)
        def _():
            pltpu.sync_copy(pe_h, pe_sh)

        plsc.subcore_barrier()

        pltpu.sync_copy(x_h.at[pl.ds(wid * n_chunks, n_chunks)], xi_all)
        pltpu.sync_copy(p_h.at[pl.ds(wid * n_chunks, n_chunks)], pi_all)

        def start_gathers(b, i):
            pltpu.async_copy(emb_h.at[xi_all.at[i]], tok[b], sg[b])
            pltpu.async_copy(pe_sh.at[pi_all.at[i]], pos_v[b], sp[b])

        def wait_gathers(b):
            pltpu.make_async_copy(emb_h.at[pl.ds(0, CHUNK)], tok[b], sg[b]).wait()
            pltpu.make_async_copy(emb_h.at[pl.ds(0, CHUNK)], pos_v[b], sp[b]).wait()

        def start_out(b, i):
            pltpu.async_copy(tok[b], out_h.at[pl.ds(base0 + i * CHUNK, CHUNK)], so[b])

        def wait_out(b):
            pltpu.make_async_copy(
                tok[b], out_h.at[pl.ds(base0, CHUNK)], so[b]
            ).wait()

        def add(b):
            @plsc.parallel_loop(0, CHUNK, step=1, unroll=4)
            def addrow(r):
                for cc in range(D_EMB // LANES):
                    sl = pl.ds(cc * LANES, LANES)
                    tok[b][r, sl] = tok[b][r, sl] + pos_v[b][r, sl]

        for b in range(NBUF - 1):
            start_gathers(b, b)

        def block(j, carry):
            for b in range(NBUF):
                i = j * NBUF + b
                wait_gathers(b)
                nb = (b + NBUF - 1) % NBUF

                @pl.when(i + NBUF - 1 < n_chunks)
                def _():
                    @pl.when(i >= 1)
                    def _():
                        wait_out(nb)

                    start_gathers(nb, i + NBUF - 1)

                add(b)
                start_out(b, i)
            return carry

        lax.fori_loop(0, n_chunks // NBUF, block, 0)
        for b in range(NBUF):
            wait_out(b)

    return k


def kernel(x, mask, emb_table, pe_table):
    b, s = x.shape
    n = b * s
    pos = _positions(mask)
    x2 = x.reshape(n // CHUNK, CHUNK).astype(jnp.int32)
    p2 = pos.reshape(n // CHUNK, CHUNK)
    out = _sc_embed(n)(x2, p2, emb_table, pe_table)
    return out.reshape(b, s, D_EMB)

# --- scband reference (transcript-rebuilt; emitter-appended) ---
"""Pipeline reference for scband-embedder-30296699306271 (READ-ONLY COPY).

The authoritative reference and input builder live on the scoring server;
editing this copy changes nothing except your own understanding.
"""

import jax, jax.numpy as jnp
import numpy as np

D_EMB = 64
MAX_SEQ_LEN = 200
VOCAB_SIZE = 1000000
BATCH = 4096
SEQ = 200


def create_pe_embeddings(d_emb, max_seq_len, padding_index=0):
    position = np.arange(max_seq_len + 1, dtype=np.float64)[:, None]
    i_emb = np.arange(d_emb, dtype=np.float64)[None, :]
    pe = (position - 1.0) / np.power(10000.0, 2.0 * i_emb / d_emb)
    pe[1:, 0::2] = np.sin(pe[1:, 0::2])
    pe[1:, 1::2] = np.cos(pe[1:, 1::2])
    pe[padding_index] = 0.0
    return jnp.asarray(pe, dtype=jnp.float32)


def setup_inputs(seed: int = 0) -> dict:
    key = jax.random.key(seed)
    k1, k2, k3 = jax.random.split(key, 3)
    x = jax.random.randint(k1, (BATCH, SEQ), 0, VOCAB_SIZE, dtype=jnp.int64 if jax.config.jax_enable_x64 else jnp.int32)
    mask = jax.random.randint(k2, (BATCH, SEQ), 0, 2, dtype=jnp.int32)
    # learned embedding table (nn.Embedding with padding_idx=0 -> row 0 zeroed)
    emb_table = jax.random.normal(k3, (VOCAB_SIZE, D_EMB), dtype=jnp.float32)
    emb_table = emb_table.at[0].set(0.0)
    pe_table = create_pe_embeddings(D_EMB, MAX_SEQ_LEN)
    return {"x": x, "mask": mask, "emb_table": emb_table, "pe_table": pe_table}


def reference(x, mask, emb_table, pe_table):
    # position = mask.cumsum(dim=1) * mask
    position = jnp.cumsum(mask, axis=1) * mask
    tok = jnp.take(emb_table, x, axis=0)
    pos = jnp.take(pe_table, position, axis=0)
    return tok + pos

if __name__ == "__main__":
    import jax
    _d = setup_inputs()
    print(jax.jit(kernel)(*tuple(_d.values())))

</pallas_src>

<mosaic_0001>
#map = affine_map<(d0, d1) -> (0, 0)>
module attributes {stable_mosaic.version = 14 : i64} {
  func.func @k(%arg0: i32, %arg1: i32, %arg2: memref<6400x128xi32, #tpu.memory_space<hbm>>, %arg3: memref<6400x128xi32, #tpu.memory_space<hbm>>, %arg4: memref<1000000x64xf32, #tpu.memory_space<hbm>>, %arg5: memref<201x64xf32, #tpu.memory_space<hbm>>, %arg6: memref<819200x64xf32, #tpu.memory_space<hbm>>, %arg7: memref<200x128xi32, #tpu.memory_space<vmem>>, %arg8: memref<200x128xi32, #tpu.memory_space<vmem>>, %arg9: memref<128x64xf32, #tpu.memory_space<vmem>>, %arg10: memref<128x64xf32, #tpu.memory_space<vmem>>, %arg11: memref<128x64xf32, #tpu.memory_space<vmem>>, %arg12: memref<128x64xf32, #tpu.memory_space<vmem>>, %arg13: memref<128x64xf32, #tpu.memory_space<vmem>>, %arg14: memref<128x64xf32, #tpu.memory_space<vmem>>, %arg15: memref<128x64xf32, #tpu.memory_space<vmem>>, %arg16: memref<128x64xf32, #tpu.memory_space<vmem>>, %arg17: memref<201x64xf32, #tpu.memory_space<vmem_shared>>, %arg18: memref<!tpu.dma_semaphore, #tpu.memory_space<semaphore_mem>>, %arg19: memref<!tpu.dma_semaphore, #tpu.memory_space<semaphore_mem>>, %arg20: memref<!tpu.dma_semaphore, #tpu.memory_space<semaphore_mem>>, %arg21: memref<!tpu.dma_semaphore, #tpu.memory_space<semaphore_mem>>, %arg22: memref<!tpu.dma_semaphore, #tpu.memory_space<semaphore_mem>>, %arg23: memref<!tpu.dma_semaphore, #tpu.memory_space<semaphore_mem>>, %arg24: memref<!tpu.dma_semaphore, #tpu.memory_space<semaphore_mem>>, %arg25: memref<!tpu.dma_semaphore, #tpu.memory_space<semaphore_mem>>, %arg26: memref<!tpu.dma_semaphore, #tpu.memory_space<semaphore_mem>>, %arg27: memref<!tpu.dma_semaphore, #tpu.memory_space<semaphore_mem>>, %arg28: memref<!tpu.dma_semaphore, #tpu.memory_space<semaphore_mem>>, %arg29: memref<!tpu.dma_semaphore, #tpu.memory_space<semaphore_mem>>) attributes {dimension_semantics = [#tpu.dimension_semantics<core_parallel>, #tpu.dimension_semantics<subcore_parallel>], iteration_bounds = array<i64: 2, 16>, scalar_prefetch = 0 : i64, scratch_operands = 23 : i64, tpu.core_type = #tpu.core_type<sc_vector_subcore>, window_params = [{transform_indices = #map}, {transform_indices = #map}, {transform_indices = #map}, {transform_indices = #map}, {transform_indices = #map}]} {
    %mul3A = arith.constant 2 : i32
    %mul3A_0 = arith.muli %arg1, %mul3A : i32
    %add3A = arith.addi %mul3A_0, %arg0 : i32
    %mul3A_1 = arith.constant 25600 : i32
    %mul3A_2 = arith.muli %add3A, %mul3A_1 : i32
    %eq3A = arith.constant 0 : i32
    %eq3A_3 = arith.cmpi eq, %arg1, %eq3A : i32
    %convert_element_type3A = arith.extui %eq3A_3 : i1 to i32
    %cond3A = arith.constant 0 : i32
    %cond3A_4 = arith.cmpi ne, %convert_element_type3A, %cond3A : i32
    scf.if %cond3A_4 {
      "tpu.region"() ({
        %run_scoped3A = tpu.sem_alloc : memref<!tpu.dma_semaphore, #tpu.memory_space<semaphore_mem>>
        tpu.enqueue_dma source(%arg5 : memref<201x64xf32, #tpu.memory_space<hbm>>) target(%arg17 : memref<201x64xf32, #tpu.memory_space<vmem_shared>>) target_semaphore(%run_scoped3A : memref<!tpu.dma_semaphore, #tpu.memory_space<semaphore_mem>>)
        tpu.wait_dma2 semaphore(%run_scoped3A : memref<!tpu.dma_semaphore, #tpu.memory_space<semaphore_mem>>) src(%arg5 : memref<201x64xf32, #tpu.memory_space<hbm>>) dst(%arg17 : memref<201x64xf32, #tpu.memory_space<vmem_shared>>)
        tpu.yield
      }) : () -> ()
    } else {
    }
    %barrier3A = arith.constant 0 : index
    tpu.barrier barrier_id(%barrier3A)
    %mul3A_5 = arith.constant 200 : i32
    %mul3A_6 = arith.muli %add3A, %mul3A_5 : i32
    "tpu.region"() ({
      %run_scoped3A = tpu.sem_alloc : memref<!tpu.dma_semaphore, #tpu.memory_space<semaphore_mem>>
      %dma_start3A_70 = arith.constant 0 : i32
      %dma_start3A_71 = tpu.memref_slice %arg2[%mul3A_6, %dma_start3A_70] : memref<6400x128xi32, #tpu.memory_space<hbm>> -> memref<200x128xi32, #tpu.memory_space<hbm>>
      %dma_start3A_72 = arith.constant 0 : i32
      %dma_start3A_73 = tpu.memref_slice %arg2[%mul3A_6, %dma_start3A_72] : memref<6400x128xi32, #tpu.memory_space<hbm>> -> memref<200x128xi32, #tpu.memory_space<hbm>>
      tpu.enqueue_dma source(%dma_start3A_73 : memref<200x128xi32, #tpu.memory_space<hbm>>) target(%arg7 : memref<200x128xi32, #tpu.memory_space<vmem>>) target_semaphore(%run_scoped3A : memref<!tpu.dma_semaphore, #tpu.memory_space<semaphore_mem>>)
      %dma_wait3A_74 = arith.constant 0 : i32
      %dma_wait3A_75 = tpu.memref_slice %arg2[%mul3A_6, %dma_wait3A_74] : memref<6400x128xi32, #tpu.memory_space<hbm>> -> memref<200x128xi32, #tpu.memory_space<hbm>>
      %dma_wait3A_76 = arith.constant 0 : i32
      %dma_wait3A_77 = tpu.memref_slice %arg2[%mul3A_6, %dma_wait3A_76] : memref<6400x128xi32, #tpu.memory_space<hbm>> -> memref<200x128xi32, #tpu.memory_space<hbm>>
      tpu.wait_dma2 semaphore(%run_scoped3A : memref<!tpu.dma_semaphore, #tpu.memory_space<semaphore_mem>>) src(%dma_wait3A_77 : memref<200x128xi32, #tpu.memory_space<hbm>>) dst(%arg7 : memref<200x128xi32, #tpu.memory_space<vmem>>)
      tpu.yield
    }) : () -> ()
    %mul3A_7 = arith.constant 200 : i32
    %mul3A_8 = arith.muli %add3A, %mul3A_7 : i32
    "tpu.region"() ({
      %run_scoped3A = tpu.sem_alloc : memref<!tpu.dma_semaphore, #tpu.memory_space<semaphore_mem>>
      %dma_start3A_70 = arith.constant 0 : i32
      %dma_start3A_71 = tpu.memref_slice %arg3[%mul3A_8, %dma_start3A_70] : memref<6400x128xi32, #tpu.memory_space<hbm>> -> memref<200x128xi32, #tpu.memory_space<hbm>>
      %dma_start3A_72 = arith.constant 0 : i32
      %dma_start3A_73 = tpu.memref_slice %arg3[%mul3A_8, %dma_start3A_72] : memref<6400x128xi32, #tpu.memory_space<hbm>> -> memref<200x128xi32, #tpu.memory_space<hbm>>
      tpu.enqueue_dma source(%dma_start3A_73 : memref<200x128xi32, #tpu.memory_space<hbm>>) target(%arg8 : memref<200x128xi32, #tpu.memory_space<vmem>>) target_semaphore(%run_scoped3A : memref<!tpu.dma_semaphore, #tpu.memory_space<semaphore_mem>>)
      %dma_wait3A_74 = arith.constant 0 : i32
      %dma_wait3A_75 = tpu.memref_slice %arg3[%mul3A_8, %dma_wait3A_74] : memref<6400x128xi32, #tpu.memory_space<hbm>> -> memref<200x128xi32, #tpu.memory_space<hbm>>
      %dma_wait3A_76 = arith.constant 0 : i32
      %dma_wait3A_77 = tpu.memref_slice %arg3[%mul3A_8, %dma_wait3A_76] : memref<6400x128xi32, #tpu.memory_space<hbm>> -> memref<200x128xi32, #tpu.memory_space<hbm>>
      tpu.wait_dma2 semaphore(%run_scoped3A : memref<!tpu.dma_semaphore, #tpu.memory_space<semaphore_mem>>) src(%dma_wait3A_77 : memref<200x128xi32, #tpu.memory_space<hbm>>) dst(%arg8 : memref<200x128xi32, #tpu.memory_space<vmem>>)
      tpu.yield
    }) : () -> ()
    %dma_start3A = arith.constant 0 : i32
    %dma_start3A_9 = arith.constant 0 : i32
    %dma_start3A_10 = tpu.memref_slice %arg7[%dma_start3A, %dma_start3A_9] : memref<200x128xi32, #tpu.memory_space<vmem>> -> memref<1x128xi32, #tpu.memory_space<vmem>>
    %dma_start3A_11 = tpu.memref_squeeze %dma_start3A_10 : memref<1x128xi32, #tpu.memory_space<vmem>> -> memref<128xi32, #tpu.memory_space<vmem>>
    %dma_start3A_12 = arith.constant 0 : i32
    %dma_start3A_13 = arith.constant 0 : i32
    %dma_start3A_14 = tpu.memref_slice %arg4[%dma_start3A_12, %dma_start3A_13] : memref<1000000x64xf32, #tpu.memory_space<hbm>> -> memref<1000000x64xf32, #tpu.memory_space<hbm>>
    tpu.enqueue_indirect_dma source(%dma_start3A_14 : memref<1000000x64xf32, #tpu.memory_space<hbm>>) target(%arg9 : memref<128x64xf32, #tpu.memory_space<vmem>>) offsets(%dma_start3A_11 : memref<128xi32, #tpu.memory_space<vmem>>) semaphore(%arg18 : memref<!tpu.dma_semaphore, #tpu.memory_space<semaphore_mem>>)
    %dma_start3A_15 = arith.constant 0 : i32
    %dma_start3A_16 = arith.constant 0 : i32
    %dma_start3A_17 = tpu.memref_slice %arg8[%dma_start3A_15, %dma_start3A_16] : memref<200x128xi32, #tpu.memory_space<vmem>> -> memref<1x128xi32, #tpu.memory_space<vmem>>
    %dma_start3A_18 = tpu.memref_squeeze %dma_start3A_17 : memref<1x128xi32, #tpu.memory_space<vmem>> -> memref<128xi32, #tpu.memory_space<vmem>>
    %dma_start3A_19 = arith.constant 0 : i32
    %dma_start3A_20 = arith.constant 0 : i32
    %dma_start3A_21 = tpu.memref_slice %arg17[%dma_start3A_19, %dma_start3A_20] : memref<201x64xf32, #tpu.memory_space<vmem_shared>> -> memref<201x64xf32, #tpu.memory_space<vmem_shared>>
    tpu.enqueue_indirect_dma source(%dma_start3A_21 : memref<201x64xf32, #tpu.memory_space<vmem_shared>>) target(%arg13 : memref<128x64xf32, #tpu.memory_space<vmem>>) offsets(%dma_start3A_18 : memref<128xi32, #tpu.memory_space<vmem>>) semaphore(%arg22 : memref<!tpu.dma_semaphore, #tpu.memory_space<semaphore_mem>>)
    %dma_start3A_22 = arith.constant 1 : i32
    %dma_start3A_23 = arith.constant 0 : i32
    %dma_start3A_24 = tpu.memref_slice %arg7[%dma_start3A_22, %dma_start3A_23] : memref<200x128xi32, #tpu.memory_space<vmem>> -> memref<1x128xi32, #tpu.memory_space<vmem>>
    %dma_start3A_25 = tpu.memref_squeeze %dma_start3A_24 : memref<1x128xi32, #tpu.memory_space<vmem>> -> memref<128xi32, #tpu.memory_space<vmem>>
    %dma_start3A_26 = arith.constant 0 : i32
    %dma_start3A_27 = arith.constant 0 : i32
    %dma_start3A_28 = tpu.memref_slice %arg4[%dma_start3A_26, %dma_start3A_27] : memref<1000000x64xf32, #tpu.memory_space<hbm>> -> memref<1000000x64xf32, #tpu.memory_space<hbm>>
    tpu.enqueue_indirect_dma source(%dma_start3A_28 : memref<1000000x64xf32, #tpu.memory_space<hbm>>) target(%arg10 : memref<128x64xf32, #tpu.memory_space<vmem>>) offsets(%dma_start3A_25 : memref<128xi32, #tpu.memory_space<vmem>>) semaphore(%arg19 : memref<!tpu.dma_semaphore, #tpu.memory_space<semaphore_mem>>)
    %dma_start3A_29 = arith.constant 1 : i32
    %dma_start3A_30 = arith.constant 0 : i32
    %dma_start3A_31 = tpu.memref_slice %arg8[%dma_start3A_29, %dma_start3A_30] : memref<200x128xi32, #tpu.memory_space<vmem>> -> memref<1x128xi32, #tpu.memory_space<vmem>>
    %dma_start3A_32 = tpu.memref_squeeze %dma_start3A_31 : memref<1x128xi32, #tpu.memory_space<vmem>> -> memref<128xi32, #tpu.memory_space<vmem>>
    %dma_start3A_33 = arith.constant 0 : i32
    %dma_start3A_34 = arith.constant 0 : i32
    %dma_start3A_35 = tpu.memref_slice %arg17[%dma_start3A_33, %dma_start3A_34] : memref<201x64xf32, #tpu.memory_space<vmem_shared>> -> memref<201x64xf32, #tpu.memory_space<vmem_shared>>
    tpu.enqueue_indirect_dma source(%dma_start3A_35 : memref<201x64xf32, #tpu.memory_space<vmem_shared>>) target(%arg14 : memref<128x64xf32, #tpu.memory_space<vmem>>) offsets(%dma_start3A_32 : memref<128xi32, #tpu.memory_space<vmem>>) semaphore(%arg23 : memref<!tpu.dma_semaphore, #tpu.memory_space<semaphore_mem>>)
    %dma_start3A_36 = arith.constant 2 : i32
    %dma_start3A_37 = arith.constant 0 : i32
    %dma_start3A_38 = tpu.memref_slice %arg7[%dma_start3A_36, %dma_start3A_37] : memref<200x128xi32, #tpu.memory_space<vmem>> -> memref<1x128xi32, #tpu.memory_space<vmem>>
    %dma_start3A_39 = tpu.memref_squeeze %dma_start3A_38 : memref<1x128xi32, #tpu.memory_space<vmem>> -> memref<128xi32, #tpu.memory_space<vmem>>
    %dma_start3A_40 = arith.constant 0 : i32
    %dma_start3A_41 = arith.constant 0 : i32
    %dma_start3A_42 = tpu.memref_slice %arg4[%dma_start3A_40, %dma_start3A_41] : memref<1000000x64xf32, #tpu.memory_space<hbm>> -> memref<1000000x64xf32, #tpu.memory_space<hbm>>
    tpu.enqueue_indirect_dma source(%dma_start3A_42 : memref<1000000x64xf32, #tpu.memory_space<hbm>>) target(%arg11 : memref<128x64xf32, #tpu.memory_space<vmem>>) offsets(%dma_start3A_39 : memref<128xi32, #tpu.memory_space<vmem>>) semaphore(%arg20 : memref<!tpu.dma_semaphore, #tpu.memory_space<semaphore_mem>>)
    %dma_start3A_43 = arith.constant 2 : i32
    %dma_start3A_44 = arith.constant 0 : i32
    %dma_start3A_45 = tpu.memref_slice %arg8[%dma_start3A_43, %dma_start3A_44] : memref<200x128xi32, #tpu.memory_space<vmem>> -> memref<1x128xi32, #tpu.memory_space<vmem>>
    %dma_start3A_46 = tpu.memref_squeeze %dma_start3A_45 : memref<1x128xi32, #tpu.memory_space<vmem>> -> memref<128xi32, #tpu.memory_space<vmem>>
    %dma_start3A_47 = arith.constant 0 : i32
    %dma_start3A_48 = arith.constant 0 : i32
    %dma_start3A_49 = tpu.memref_slice %arg17[%dma_start3A_47, %dma_start3A_48] : memref<201x64xf32, #tpu.memory_space<vmem_shared>> -> memref<201x64xf32, #tpu.memory_space<vmem_shared>>
    tpu.enqueue_indirect_dma source(%dma_start3A_49 : memref<201x64xf32, #tpu.memory_space<vmem_shared>>) target(%arg15 : memref<128x64xf32, #tpu.memory_space<vmem>>) offsets(%dma_start3A_46 : memref<128xi32, #tpu.memory_space<vmem>>) semaphore(%arg24 : memref<!tpu.dma_semaphore, #tpu.memory_space<semaphore_mem>>)
    %scan3A = arith.constant 0 : i32
    %scan3A_50 = arith.constant 0 : i32
    %scan3A_51 = arith.constant 50 : i32
    %scan3A_52 = arith.addi %scan3A_50, %scan3A_51 : i32
    %scan3A_53 = arith.constant 1 : i32
    scf.for %scan3A_70 = %scan3A_50 to %scan3A_52 step %scan3A_53  : i32 {
      %mul3A_71 = arith.constant 4 : i32
      %mul3A_72 = arith.muli %scan3A_70, %mul3A_71 : i32
      %add3A_73 = arith.constant 0 : i32
      %add3A_74 = arith.addi %mul3A_72, %add3A_73 : i32
      %dma_wait3A_75 = arith.constant 0 : i32
      %dma_wait3A_76 = arith.constant 0 : i32
      %dma_wait3A_77 = tpu.memref_slice %arg4[%dma_wait3A_75, %dma_wait3A_76] : memref<1000000x64xf32, #tpu.memory_space<hbm>> -> memref<128x64xf32, #tpu.memory_space<hbm>>
      %dma_wait3A_78 = arith.constant 0 : i32
      %dma_wait3A_79 = arith.constant 0 : i32
      %dma_wait3A_80 = tpu.memref_slice %arg4[%dma_wait3A_78, %dma_wait3A_79] : memref<1000000x64xf32, #tpu.memory_space<hbm>> -> memref<128x64xf32, #tpu.memory_space<hbm>>
      tpu.wait_dma2 semaphore(%arg18 : memref<!tpu.dma_semaphore, #tpu.memory_space<semaphore_mem>>) src(%dma_wait3A_80 : memref<128x64xf32, #tpu.memory_space<hbm>>) dst(%arg9 : memref<128x64xf32, #tpu.memory_space<vmem>>)
      %dma_wait3A_81 = arith.constant 0 : i32
      %dma_wait3A_82 = arith.constant 0 : i32
      %dma_wait3A_83 = tpu.memref_slice %arg4[%dma_wait3A_81, %dma_wait3A_82] : memref<1000000x64xf32, #tpu.memory_space<hbm>> -> memref<128x64xf32, #tpu.memory_space<hbm>>
      %dma_wait3A_84 = arith.constant 0 : i32
      %dma_wait3A_85 = arith.constant 0 : i32
      %dma_wait3A_86 = tpu.memref_slice %arg4[%dma_wait3A_84, %dma_wait3A_85] : memref<1000000x64xf32, #tpu.memory_space<hbm>> -> memref<128x64xf32, #tpu.memory_space<hbm>>
      tpu.wait_dma2 semaphore(%arg22 : memref<!tpu.dma_semaphore, #tpu.memory_space<semaphore_mem>>) src(%dma_wait3A_86 : memref<128x64xf32, #tpu.memory_space<hbm>>) dst(%arg13 : memref<128x64xf32, #tpu.memory_space<vmem>>)
      %add3A_87 = arith.constant 4 : i32
      %add3A_88 = arith.addi %add3A_74, %add3A_87 : i32
      %sub3A = arith.constant 1 : i32
      %sub3A_89 = arith.subi %add3A_88, %sub3A : i32
      %lt3A = arith.constant 200 : i32
      %lt3A_90 = arith.cmpi slt, %sub3A_89, %lt3A : i32
      %convert_element_type3A_91 = arith.extui %lt3A_90 : i1 to i32
      %cond3A_92 = arith.constant 0 : i32
      %cond3A_93 = arith.cmpi ne, %convert_element_type3A_91, %cond3A_92 : i32
      scf.if %cond3A_93 {
        %ge3A = arith.constant 1 : i32
        %ge3A_208 = arith.cmpi sge, %add3A_74, %ge3A : i32
        %convert_element_type3A_209 = arith.extui %ge3A_208 : i1 to i32
        %cond3A_210 = arith.constant 0 : i32
        %cond3A_211 = arith.cmpi ne, %convert_element_type3A_209, %cond3A_210 : i32
        scf.if %cond3A_211 {
          %dma_wait3A_228 = arith.constant 0 : i32
          %dma_wait3A_229 = tpu.memref_slice %arg6[%mul3A_2, %dma_wait3A_228] : memref<819200x64xf32, #tpu.memory_space<hbm>> -> memref<128x64xf32, #tpu.memory_space<hbm>>
          %dma_wait3A_230 = arith.constant 0 : i32
          %dma_wait3A_231 = tpu.memref_slice %arg6[%mul3A_2, %dma_wait3A_230] : memref<819200x64xf32, #tpu.memory_space<hbm>> -> memref<128x64xf32, #tpu.memory_space<hbm>>
          tpu.wait_dma2 semaphore(%arg29 : memref<!tpu.dma_semaphore, #tpu.memory_space<semaphore_mem>>) src(%arg12 : memref<128x64xf32, #tpu.memory_space<vmem>>) dst(%dma_wait3A_231 : memref<128x64xf32, #tpu.memory_space<hbm>>)
        } else {
        }
        %add3A_212 = arith.constant 4 : i32
        %add3A_213 = arith.addi %add3A_74, %add3A_212 : i32
        %sub3A_214 = arith.constant 1 : i32
        %sub3A_215 = arith.subi %add3A_213, %sub3A_214 : i32
        %dma_start3A_216 = arith.constant 0 : i32
        %dma_start3A_217 = tpu.memref_slice %arg7[%sub3A_215, %dma_start3A_216] : memref<200x128xi32, #tpu.memory_space<vmem>> -> memref<1x128xi32, #tpu.memory_space<vmem>>
        %dma_start3A_218 = tpu.memref_squeeze %dma_start3A_217 : memref<1x128xi32, #tpu.memory_space<vmem>> -> memref<128xi32, #tpu.memory_space<vmem>>
        %dma_start3A_219 = arith.constant 0 : i32
        %dma_start3A_220 = arith.constant 0 : i32
        %dma_start3A_221 = tpu.memref_slice %arg4[%dma_start3A_219, %dma_start3A_220] : memref<1000000x64xf32, #tpu.memory_space<hbm>> -> memref<1000000x64xf32, #tpu.memory_space<hbm>>
        tpu.enqueue_indirect_dma source(%dma_start3A_221 : memref<1000000x64xf32, #tpu.memory_space<hbm>>) target(%arg12 : memref<128x64xf32, #tpu.memory_space<vmem>>) offsets(%dma_start3A_218 : memref<128xi32, #tpu.memory_space<vmem>>) semaphore(%arg21 : memref<!tpu.dma_semaphore, #tpu.memory_space<semaphore_mem>>)
        %dma_start3A_222 = arith.constant 0 : i32
        %dma_start3A_223 = tpu.memref_slice %arg8[%sub3A_215, %dma_start3A_222] : memref<200x128xi32, #tpu.memory_space<vmem>> -> memref<1x128xi32, #tpu.memory_space<vmem>>
        %dma_start3A_224 = tpu.memref_squeeze %dma_start3A_223 : memref<1x128xi32, #tpu.memory_space<vmem>> -> memref<128xi32, #tpu.memory_space<vmem>>
        %dma_start3A_225 = arith.constant 0 : i32
        %dma_start3A_226 = arith.constant 0 : i32
        %dma_start3A_227 = tpu.memref_slice %arg17[%dma_start3A_225, %dma_start3A_226] : memref<201x64xf32, #tpu.memory_space<vmem_shared>> -> memref<201x64xf32, #tpu.memory_space<vmem_shared>>
        tpu.enqueue_indirect_dma source(%dma_start3A_227 : memref<201x64xf32, #tpu.memory_space<vmem_shared>>) target(%arg16 : memref<128x64xf32, #tpu.memory_space<vmem>>) offsets(%dma_start3A_224 : memref<128xi32, #tpu.memory_space<vmem>>) semaphore(%arg25 : memref<!tpu.dma_semaphore, #tpu.memory_space<semaphore_mem>>)
      } else {
      }
      %parallel_loop3A = arith.constant 0 : i32
      %parallel_loop3A_94 = arith.constant 128 : i32
      %parallel_loop3A_95 = arith.constant 1 : i32
      scf.for %parallel_loop3A_208 = %parallel_loop3A to %parallel_loop3A_94 step %parallel_loop3A_95  : i32 {
        %parallel_loop3A_209 = arith.index_cast %parallel_loop3A_208 : i32 to index
        %parallel_loop3A_210 = arith.constant 0 : index
        %parallel_loop3A_211 = tpu.vector_load %arg9[%parallel_loop3A_209, %parallel_loop3A_210] {strides = array<i32>} : memref<128x64xf32, #tpu.memory_space<vmem>>, vector<16xf32>,
        %parallel_loop3A_212 = arith.index_cast %parallel_loop3A_208 : i32 to index
        %parallel_loop3A_213 = arith.constant 0 : index
        %parallel_loop3A_214 = tpu.vector_load %arg13[%parallel_loop3A_212, %parallel_loop3A_213] {strides = array<i32>} : memref<128x64xf32, #tpu.memory_space<vmem>>, vector<16xf32>,
        %parallel_loop3A_215 = arith.addf %parallel_loop3A_211, %parallel_loop3A_214 : vector<16xf32>
        %parallel_loop3A_216 = arith.index_cast %parallel_loop3A_208 : i32 to index
        %parallel_loop3A_217 = arith.constant 0 : index
        %parallel_loop3A_218 = tpu.vector_load %arg9[%parallel_loop3A_216, %parallel_loop3A_217] {strides = array<i32>} : memref<128x64xf32, #tpu.memory_space<vmem>>, vector<16xf32>,
        tpu.vector_store %arg9[%parallel_loop3A_216, %parallel_loop3A_217], %parallel_loop3A_215 {strides = array<i32>} : memref<128x64xf32, #tpu.memory_space<vmem>>, vector<16xf32>,
        %parallel_loop3A_219 = arith.index_cast %parallel_loop3A_208 : i32 to index
        %parallel_loop3A_220 = arith.constant 16 : index
        %parallel_loop3A_221 = tpu.vector_load %arg9[%parallel_loop3A_219, %parallel_loop3A_220] {strides = array<i32>} : memref<128x64xf32, #tpu.memory_space<vmem>>, vector<16xf32>,
        %parallel_loop3A_222 = arith.index_cast %parallel_loop3A_208 : i32 to index
        %parallel_loop3A_223 = arith.constant 16 : index
        %parallel_loop3A_224 = tpu.vector_load %arg13[%parallel_loop3A_222, %parallel_loop3A_223] {strides = array<i32>} : memref<128x64xf32, #tpu.memory_space<vmem>>, vector<16xf32>,
        %parallel_loop3A_225 = arith.addf %parallel_loop3A_221, %parallel_loop3A_224 : vector<16xf32>
        %parallel_loop3A_226 = arith.index_cast %parallel_loop3A_208 : i32 to index
        %parallel_loop3A_227 = arith.constant 16 : index
        %parallel_loop3A_228 = tpu.vector_load %arg9[%parallel_loop3A_226, %parallel_loop3A_227] {strides = array<i32>} : memref<128x64xf32, #tpu.memory_space<vmem>>, vector<16xf32>,
        tpu.vector_store %arg9[%parallel_loop3A_226, %parallel_loop3A_227], %parallel_loop3A_225 {strides = array<i32>} : memref<128x64xf32, #tpu.memory_space<vmem>>, vector<16xf32>,
        %parallel_loop3A_229 = arith.index_cast %parallel_loop3A_208 : i32 to index
        %parallel_loop3A_230 = arith.constant 32 : index
        %parallel_loop3A_231 = tpu.vector_load %arg9[%parallel_loop3A_229, %parallel_loop3A_230] {strides = array<i32>} : memref<128x64xf32, #tpu.memory_space<vmem>>, vector<16xf32>,
        %parallel_loop3A_232 = arith.index_cast %parallel_loop3A_208 : i32 to index
        %parallel_loop3A_233 = arith.constant 32 : index
        %parallel_loop3A_234 = tpu.vector_load %arg13[%parallel_loop3A_232, %parallel_loop3A_233] {strides = array<i32>} : memref<128x64xf32, #tpu.memory_space<vmem>>, vector<16xf32>,
        %parallel_loop3A_235 = arith.addf %parallel_loop3A_231, %parallel_loop3A_234 : vector<16xf32>
        %parallel_loop3A_236 = arith.index_cast %parallel_loop3A_208 : i32 to index
        %parallel_loop3A_237 = arith.constant 32 : index
        %parallel_loop3A_238 = tpu.vector_load %arg9[%parallel_loop3A_236, %parallel_loop3A_237] {strides = array<i32>} : memref<128x64xf32, #tpu.memory_space<vmem>>, vector<16xf32>,
        tpu.vector_store %arg9[%parallel_loop3A_236, %parallel_loop3A_237], %parallel_loop3A_235 {strides = array<i32>} : memref<128x64xf32, #tpu.memory_space<vmem>>, vector<16xf32>,
        %parallel_loop3A_239 = arith.index_cast %parallel_loop3A_208 : i32 to index
        %parallel_loop3A_240 = arith.constant 48 : index
        %parallel_loop3A_241 = tpu.vector_load %arg9[%parallel_loop3A_239, %parallel_loop3A_240] {strides = array<i32>} : memref<128x64xf32, #tpu.memory_space<vmem>>, vector<16xf32>,
        %parallel_loop3A_242 = arith.index_cast %parallel_loop3A_208 : i32 to index
        %parallel_loop3A_243 = arith.constant 48 : index
        %parallel_loop3A_244 = tpu.vector_load %arg13[%parallel_loop3A_242, %parallel_loop3A_243] {strides = array<i32>} : memref<128x64xf32, #tpu.memory_space<vmem>>, vector<16xf32>,
        %parallel_loop3A_245 = arith.addf %parallel_loop3A_241, %parallel_loop3A_244 : vector<16xf32>
        %parallel_loop3A_246 = arith.index_cast %parallel_loop3A_208 : i32 to index
        %parallel_loop3A_247 = arith.constant 48 : index
        %parallel_loop3A_248 = tpu.vector_load %arg9[%parallel_loop3A_246, %parallel_loop3A_247] {strides = array<i32>} : memref<128x64xf32, #tpu.memory_space<vmem>>, vector<16xf32>,
        tpu.vector_store %arg9[%parallel_loop3A_246, %parallel_loop3A_247], %parallel_loop3A_245 {strides = array<i32>} : memref<128x64xf32, #tpu.memory_space<vmem>>, vector<16xf32>,
      } {sc.loop_unroll_factor = 4 : i64, sc.parallel_access}
      %mul3A_96 = arith.constant 128 : i32
      %mul3A_97 = arith.muli %add3A_74, %mul3A_96 : i32
      %add3A_98 = arith.addi %mul3A_2, %mul3A_97 : i32
      %dma_start3A_99 = arith.constant 0 : i32
      %dma_start3A_100 = tpu.memref_slice %arg6[%add3A_98, %dma_start3A_99] : memref<819200x64xf32, #tpu.memory_space<hbm>> -> memref<128x64xf32, #tpu.memory_space<hbm>>
      %dma_start3A_101 = arith.constant 0 : i32
      %dma_start3A_102 = tpu.memref_slice %arg6[%add3A_98, %dma_start3A_101] : memref<819200x64xf32, #tpu.memory_space<hbm>> -> memref<128x64xf32, #tpu.memory_space<hbm>>
      tpu.enqueue_dma source(%arg9 : memref<128x64xf32, #tpu.memory_space<vmem>>) target(%dma_start3A_102 : memref<128x64xf32, #tpu.memory_space<hbm>>) target_semaphore(%arg26 : memref<!tpu.dma_semaphore, #tpu.memory_space<semaphore_mem>>)
      %mul3A_103 = arith.constant 4 : i32
      %mul3A_104 = arith.muli %scan3A_70, %mul3A_103 : i32
      %add3A_105 = arith.constant 1 : i32
      %add3A_106 = arith.addi %mul3A_104, %add3A_105 : i32
      %dma_wait3A_107 = arith.constant 0 : i32
      %dma_wait3A_108 = arith.constant 0 : i32
      %dma_wait3A_109 = tpu.memref_slice %arg4[%dma_wait3A_107, %dma_wait3A_108] : memref<1000000x64xf32, #tpu.memory_space<hbm>> -> memref<128x64xf32, #tpu.memory_space<hbm>>
      %dma_wait3A_110 = arith.constant 0 : i32
      %dma_wait3A_111 = arith.constant 0 : i32
      %dma_wait3A_112 = tpu.memref_slice %arg4[%dma_wait3A_110, %dma_wait3A_111] : memref<1000000x64xf32, #tpu.memory_space<hbm>> -> memref<128x64xf32, #tpu.memory_space<hbm>>
      tpu.wait_dma2 semaphore(%arg19 : memref<!tpu.dma_semaphore, #tpu.memory_space<semaphore_mem>>) src(%dma_wait3A_112 : memref<128x64xf32, #tpu.memory_space<hbm>>) dst(%arg10 : memref<128x64xf32, #tpu.memory_space<vmem>>)
      %dma_wait3A_113 = arith.constant 0 : i32
      %dma_wait3A_114 = arith.constant 0 : i32
      %dma_wait3A_115 = tpu.memref_slice %arg4[%dma_wait3A_113, %dma_wait3A_114] : memref<1000000x64xf32, #tpu.memory_space<hbm>> -> memref<128x64xf32, #tpu.memory_space<hbm>>
      %dma_wait3A_116 = arith.constant 0 : i32
      %dma_wait3A_117 = arith.constant 0 : i32
      %dma_wait3A_118 = tpu.memref_slice %arg4[%dma_wait3A_116, %dma_wait3A_117] : memref<1000000x64xf32, #tpu.memory_space<hbm>> -> memref<128x64xf32, #tpu.memory_space<hbm>>
      tpu.wait_dma2 semaphore(%arg23 : memref<!tpu.dma_semaphore, #tpu.memory_space<semaphore_mem>>) src(%dma_wait3A_118 : memref<128x64xf32, #tpu.memory_space<hbm>>) dst(%arg14 : memref<128x64xf32, #tpu.memory_space<vmem>>)
      %add3A_119 = arith.constant 4 : i32
      %add3A_120 = arith.addi %add3A_106, %add3A_119 : i32
      %sub3A_121 = arith.constant 1 : i32
      %sub3A_122 = arith.subi %add3A_120, %sub3A_121 : i32
      %lt3A_123 = arith.constant 200 : i32
      %lt3A_124 = arith.cmpi slt, %sub3A_122, %lt3A_123 : i32
      %convert_element_type3A_125 = arith.extui %lt3A_124 : i1 to i32
      %cond3A_126 = arith.constant 0 : i32
      %cond3A_127 = arith.cmpi ne, %convert_element_type3A_125, %cond3A_126 : i32
      scf.if %cond3A_127 {
        %ge3A = arith.constant 1 : i32
        %ge3A_208 = arith.cmpi sge, %add3A_106, %ge3A : i32
        %convert_element_type3A_209 = arith.extui %ge3A_208 : i1 to i32
        %cond3A_210 = arith.constant 0 : i32
        %cond3A_211 = arith.cmpi ne, %convert_element_type3A_209, %cond3A_210 : i32
        scf.if %cond3A_211 {
          %dma_wait3A_228 = arith.constant 0 : i32
          %dma_wait3A_229 = tpu.memref_slice %arg6[%mul3A_2, %dma_wait3A_228] : memref<819200x64xf32, #tpu.memory_space<hbm>> -> memref<128x64xf32, #tpu.memory_space<hbm>>
          %dma_wait3A_230 = arith.constant 0 : i32
          %dma_wait3A_231 = tpu.memref_slice %arg6[%mul3A_2, %dma_wait3A_230] : memref<819200x64xf32, #tpu.memory_space<hbm>> -> memref<128x64xf32, #tpu.memory_space<hbm>>
          tpu.wait_dma2 semaphore(%arg26 : memref<!tpu.dma_semaphore, #tpu.memory_space<semaphore_mem>>) src(%arg9 : memref<128x64xf32, #tpu.memory_space<vmem>>) dst(%dma_wait3A_231 : memref<128x64xf32, #tpu.memory_space<hbm>>)
        } else {
        }
        %add3A_212 = arith.constant 4 : i32
        %add3A_213 = arith.addi %add3A_106, %add3A_212 : i32
        %sub3A_214 = arith.constant 1 : i32
        %sub3A_215 = arith.subi %add3A_213, %sub3A_214 : i32
        %dma_start3A_216 = arith.constant 0 : i32
        %dma_start3A_217 = tpu.memref_slice %arg7[%sub3A_215, %dma_start3A_216] : memref<200x128xi32, #tpu.memory_space<vmem>> -> memref<1x128xi32, #tpu.memory_space<vmem>>
        %dma_start3A_218 = tpu.memref_squeeze %dma_start3A_217 : memref<1x128xi32, #tpu.memory_space<vmem>> -> memref<128xi32, #tpu.memory_space<vmem>>
        %dma_start3A_219 = arith.constant 0 : i32
        %dma_start3A_220 = arith.constant 0 : i32
        %dma_start3A_221 = tpu.memref_slice %arg4[%dma_start3A_219, %dma_start3A_220] : memref<1000000x64xf32, #tpu.memory_space<hbm>> -> memref<1000000x64xf32, #tpu.memory_space<hbm>>
        tpu.enqueue_indirect_dma source(%dma_start3A_221 : memref<1000000x64xf32, #tpu.memory_space<hbm>>) target(%arg9 : memref<128x64xf32, #tpu.memory_space<vmem>>) offsets(%dma_start3A_218 : memref<128xi32, #tpu.memory_space<vmem>>) semaphore(%arg18 : memref<!tpu.dma_semaphore, #tpu.memory_space<semaphore_mem>>)
        %dma_start3A_222 = arith.constant 0 : i32
        %dma_start3A_223 = tpu.memref_slice %arg8[%sub3A_215, %dma_start3A_222] : memref<200x128xi32, #tpu.memory_space<vmem>> -> memref<1x128xi32, #tpu.memory_space<vmem>>
        %dma_start3A_224 = tpu.memref_squeeze %dma_start3A_223 : memref<1x128xi32, #tpu.memory_space<vmem>> -> memref<128xi32, #tpu.memory_space<vmem>>
        %dma_start3A_225 = arith.constant 0 : i32
        %dma_start3A_226 = arith.constant 0 : i32
        %dma_start3A_227 = tpu.memref_slice %arg17[%dma_start3A_225, %dma_start3A_226] : memref<201x64xf32, #tpu.memory_space<vmem_shared>> -> memref<201x64xf32, #tpu.memory_space<vmem_shared>>
        tpu.enqueue_indirect_dma source(%dma_start3A_227 : memref<201x64xf32, #tpu.memory_space<vmem_shared>>) target(%arg13 : memref<128x64xf32, #tpu.memory_space<vmem>>) offsets(%dma_start3A_224 : memref<128xi32, #tpu.memory_space<vmem>>) semaphore(%arg22 : memref<!tpu.dma_semaphore, #tpu.memory_space<semaphore_mem>>)
      } else {
      }
      %parallel_loop3A_128 = arith.constant 0 : i32
      %parallel_loop3A_129 = arith.constant 128 : i32
      %parallel_loop3A_130 = arith.constant 1 : i32
      scf.for %parallel_loop3A_208 = %parallel_loop3A_128 to %parallel_loop3A_129 step %parallel_loop3A_130  : i32 {
        %parallel_loop3A_209 = arith.index_cast %parallel_loop3A_208 : i32 to index
        %parallel_loop3A_210 = arith.constant 0 : index
        %parallel_loop3A_211 = tpu.vector_load %arg10[%parallel_loop3A_209, %parallel_loop3A_210] {strides = array<i32>} : memref<128x64xf32, #tpu.memory_space<vmem>>, vector<16xf32>,
        %parallel_loop3A_212 = arith.index_cast %parallel_loop3A_208 : i32 to index
        %parallel_loop3A_213 = arith.constant 0 : index
        %parallel_loop3A_214 = tpu.vector_load %arg14[%parallel_loop3A_212, %parallel_loop3A_213] {strides = array<i32>} : memref<128x64xf32, #tpu.memory_space<vmem>>, vector<16xf32>,
        %parallel_loop3A_215 = arith.addf %parallel_loop3A_211, %parallel_loop3A_214 : vector<16xf32>
        %parallel_loop3A_216 = arith.index_cast %parallel_loop3A_208 : i32 to index
        %parallel_loop3A_217 = arith.constant 0 : index
        %parallel_loop3A_218 = tpu.vector_load %arg10[%parallel_loop3A_216, %parallel_loop3A_217] {strides = array<i32>} : memref<128x64xf32, #tpu.memory_space<vmem>>, vector<16xf32>,
        tpu.vector_store %arg10[%parallel_loop3A_216, %parallel_loop3A_217], %parallel_loop3A_215 {strides = array<i32>} : memref<128x64xf32, #tpu.memory_space<vmem>>, vector<16xf32>,
        %parallel_loop3A_219 = arith.index_cast %parallel_loop3A_208 : i32 to index
        %parallel_loop3A_220 = arith.constant 16 : index
        %parallel_loop3A_221 = tpu.vector_load %arg10[%parallel_loop3A_219, %parallel_loop3A_220] {strides = array<i32>} : memref<128x64xf32, #tpu.memory_space<vmem>>, vector<16xf32>,
        %parallel_loop3A_222 = arith.index_cast %parallel_loop3A_208 : i32 to index
        %parallel_loop3A_223 = arith.constant 16 : index
        %parallel_loop3A_224 = tpu.vector_load %arg14[%parallel_loop3A_222, %parallel_loop3A_223] {strides = array<i32>} : memref<128x64xf32, #tpu.memory_space<vmem>>, vector<16xf32>,
        %parallel_loop3A_225 = arith.addf %parallel_loop3A_221, %parallel_loop3A_224 : vector<16xf32>
        %parallel_loop3A_226 = arith.index_cast %parallel_loop3A_208 : i32 to index
        %parallel_loop3A_227 = arith.constant 16 : index
        %parallel_loop3A_228 = tpu.vector_load %arg10[%parallel_loop3A_226, %parallel_loop3A_227] {strides = array<i32>} : memref<128x64xf32, #tpu.memory_space<vmem>>, vector<16xf32>,
        tpu.vector_store %arg10[%parallel_loop3A_226, %parallel_loop3A_227], %parallel_loop3A_225 {strides = array<i32>} : memref<128x64xf32, #tpu.memory_space<vmem>>, vector<16xf32>,
        %parallel_loop3A_229 = arith.index_cast %parallel_loop3A_208 : i32 to index
        %parallel_loop3A_230 = arith.constant 32 : index
        %parallel_loop3A_231 = tpu.vector_load %arg10[%parallel_loop3A_229, %parallel_loop3A_230] {strides = array<i32>} : memref<128x64xf32, #tpu.memory_space<vmem>>, vector<16xf32>,
        %parallel_loop3A_232 = arith.index_cast %parallel_loop3A_208 : i32 to index
        %parallel_loop3A_233 = arith.constant 32 : index
        %parallel_loop3A_234 = tpu.vector_load %arg14[%parallel_loop3A_232, %parallel_loop3A_233] {strides = array<i32>} : memref<128x64xf32, #tpu.memory_space<vmem>>, vector<16xf32>,
        %parallel_loop3A_235 = arith.addf %parallel_loop3A_231, %parallel_loop3A_234 : vector<16xf32>
        %parallel_loop3A_236 = arith.index_cast %parallel_loop3A_208 : i32 to index
        %parallel_loop3A_237 = arith.constant 32 : index
        %parallel_loop3A_238 = tpu.vector_load %arg10[%parallel_loop3A_236, %parallel_loop3A_237] {strides = array<i32>} : memref<128x64xf32, #tpu.memory_space<vmem>>, vector<16xf32>,
        tpu.vector_store %arg10[%parallel_loop3A_236, %parallel_loop3A_237], %parallel_loop3A_235 {strides = array<i32>} : memref<128x64xf32, #tpu.memory_space<vmem>>, vector<16xf32>,
        %parallel_loop3A_239 = arith.index_cast %parallel_loop3A_208 : i32 to index
        %parallel_loop3A_240 = arith.constant 48 : index
        %parallel_loop3A_241 = tpu.vector_load %arg10[%parallel_loop3A_239, %parallel_loop3A_240] {strides = array<i32>} : memref<128x64xf32, #tpu.memory_space<vmem>>, vector<16xf32>,
        %parallel_loop3A_242 = arith.index_cast %parallel_loop3A_208 : i32 to index
        %parallel_loop3A_243 = arith.constant 48 : index
        %parallel_loop3A_244 = tpu.vector_load %arg14[%parallel_loop3A_242, %parallel_loop3A_243] {strides = array<i32>} : memref<128x64xf32, #tpu.memory_space<vmem>>, vector<16xf32>,
        %parallel_loop3A_245 = arith.addf %parallel_loop3A_241, %parallel_loop3A_244 : vector<16xf32>
        %parallel_loop3A_246 = arith.index_cast %parallel_loop3A_208 : i32 to index
        %parallel_loop3A_247 = arith.constant 48 : index
        %parallel_loop3A_248 = tpu.vector_load %arg10[%parallel_loop3A_246, %parallel_loop3A_247] {strides = array<i32>} : memref<128x64xf32, #tpu.memory_space<vmem>>, vector<16xf32>,
        tpu.vector_store %arg10[%parallel_loop3A_246, %parallel_loop3A_247], %parallel_loop3A_245 {strides = array<i32>} : memref<128x64xf32, #tpu.memory_space<vmem>>, vector<16xf32>,
      } {sc.loop_unroll_factor = 4 : i64, sc.parallel_access}
      %mul3A_131 = arith.constant 128 : i32
      %mul3A_132 = arith.muli %add3A_106, %mul3A_131 : i32
      %add3A_133 = arith.addi %mul3A_2, %mul3A_132 : i32
      %dma_start3A_134 = arith.constant 0 : i32
      %dma_start3A_135 = tpu.memref_slice %arg6[%add3A_133, %dma_start3A_134] : memref<819200x64xf32, #tpu.memory_space<hbm>> -> memref<128x64xf32, #tpu.memory_space<hbm>>
      %dma_start3A_136 = arith.constant 0 : i32
      %dma_start3A_137 = tpu.memref_slice %arg6[%add3A_133, %dma_start3A_136] : memref<819200x64xf32, #tpu.memory_space<hbm>> -> memref<128x64xf32, #tpu.memory_space<hbm>>
      tpu.enqueue_dma source(%arg10 : memref<128x64xf32, #tpu.memory_space<vmem>>) target(%dma_start3A_137 : memref<128x64xf32, #tpu.memory_space<hbm>>) target_semaphore(%arg27 : memref<!tpu.dma_semaphore, #tpu.memory_space<semaphore_mem>>)
      %mul3A_138 = arith.constant 4 : i32
      %mul3A_139 = arith.muli %scan3A_70, %mul3A_138 : i32
      %add3A_140 = arith.constant 2 : i32
      %add3A_141 = arith.addi %mul3A_139, %add3A_140 : i32
      %dma_wait3A_142 = arith.constant 0 : i32
      %dma_wait3A_143 = arith.constant 0 : i32
      %dma_wait3A_144 = tpu.memref_slice %arg4[%dma_wait3A_142, %dma_wait3A_143] : memref<1000000x64xf32, #tpu.memory_space<hbm>> -> memref<128x64xf32, #tpu.memory_space<hbm>>
      %dma_wait3A_145 = arith.constant 0 : i32
      %dma_wait3A_146 = arith.constant 0 : i32
      %dma_wait3A_147 = tpu.memref_slice %arg4[%dma_wait3A_145, %dma_wait3A_146] : memref<1000000x64xf32, #tpu.memory_space<hbm>> -> memref<128x64xf32, #tpu.memory_space<hbm>>
      tpu.wait_dma2 semaphore(%arg20 : memref<!tpu.dma_semaphore, #tpu.memory_space<semaphore_mem>>) src(%dma_wait3A_147 : memref<128x64xf32, #tpu.memory_space<hbm>>) dst(%arg11 : memref<128x64xf32, #tpu.memory_space<vmem>>)
      %dma_wait3A_148 = arith.constant 0 : i32
      %dma_wait3A_149 = arith.constant 0 : i32
      %dma_wait3A_150 = tpu.memref_slice %arg4[%dma_wait3A_148, %dma_wait3A_149] : memref<1000000x64xf32, #tpu.memory_space<hbm>> -> memref<128x64xf32, #tpu.memory_space<hbm>>
      %dma_wait3A_151 = arith.constant 0 : i32
      %dma_wait3A_152 = arith.constant 0 : i32
      %dma_wait3A_153 = tpu.memref_slice %arg4[%dma_wait3A_151, %dma_wait3A_152] : memref<1000000x64xf32, #tpu.memory_space<hbm>> -> memref<128x64xf32, #tpu.memory_space<hbm>>
      tpu.wait_dma2 semaphore(%arg24 : memref<!tpu.dma_semaphore, #tpu.memory_space<semaphore_mem>>) src(%dma_wait3A_153 : memref<128x64xf32, #tpu.memory_space<hbm>>) dst(%arg15 : memref<128x64xf32, #tpu.memory_space<vmem>>)
      %add3A_154 = arith.constant 4 : i32
      %add3A_155 = arith.addi %add3A_141, %add3A_154 : i32
      %sub3A_156 = arith.constant 1 : i32
      %sub3A_157 = arith.subi %add3A_155, %sub3A_156 : i32
      %lt3A_158 = arith.constant 200 : i32
      %lt3A_159 = arith.cmpi slt, %sub3A_157, %lt3A_158 : i32
      %convert_element_type3A_160 = arith.extui %lt3A_159 : i1 to i32
      %cond3A_161 = arith.constant 0 : i32
      %cond3A_162 = arith.cmpi ne, %convert_element_type3A_160, %cond3A_161 : i32
      scf.if %cond3A_162 {
        %ge3A = arith.constant 1 : i32
        %ge3A_208 = arith.cmpi sge, %add3A_141, %ge3A : i32
        %convert_element_type3A_209 = arith.extui %ge3A_208 : i1 to i32
        %cond3A_210 = arith.constant 0 : i32
        %cond3A_211 = arith.cmpi ne, %convert_element_type3A_209, %cond3A_210 : i32
        scf.if %cond3A_211 {
          %dma_wait3A_228 = arith.constant 0 : i32
          %dma_wait3A_229 = tpu.memref_slice %arg6[%mul3A_2, %dma_wait3A_228] : memref<819200x64xf32, #tpu.memory_space<hbm>> -> memref<128x64xf32, #tpu.memory_space<hbm>>
          %dma_wait3A_230 = arith.constant 0 : i32
          %dma_wait3A_231 = tpu.memref_slice %arg6[%mul3A_2, %dma_wait3A_230] : memref<819200x64xf32, #tpu.memory_space<hbm>> -> memref<128x64xf32, #tpu.memory_space<hbm>>
          tpu.wait_dma2 semaphore(%arg27 : memref<!tpu.dma_semaphore, #tpu.memory_space<semaphore_mem>>) src(%arg10 : memref<128x64xf32, #tpu.memory_space<vmem>>) dst(%dma_wait3A_231 : memref<128x64xf32, #tpu.memory_space<hbm>>)
        } else {
        }
        %add3A_212 = arith.constant 4 : i32
        %add3A_213 = arith.addi %add3A_141, %add3A_212 : i32
        %sub3A_214 = arith.constant 1 : i32
        %sub3A_215 = arith.subi %add3A_213, %sub3A_214 : i32
        %dma_start3A_216 = arith.constant 0 : i32
        %dma_start3A_217 = tpu.memref_slice %arg7[%sub3A_215, %dma_start3A_216] : memref<200x128xi32, #tpu.memory_space<vmem>> -> memref<1x128xi32, #tpu.memory_space<vmem>>
        %dma_start3A_218 = tpu.memref_squeeze %dma_start3A_217 : memref<1x128xi32, #tpu.memory_space<vmem>> -> memref<128xi32, #tpu.memory_space<vmem>>
        %dma_start3A_219 = arith.constant 0 : i32
        %dma_start3A_220 = arith.constant 0 : i32
        %dma_start3A_221 = tpu.memref_slice %arg4[%dma_start3A_219, %dma_start3A_220] : memref<1000000x64xf32, #tpu.memory_space<hbm>> -> memref<1000000x64xf32, #tpu.memory_space<hbm>>
        tpu.enqueue_indirect_dma source(%dma_start3A_221 : memref<1000000x64xf32, #tpu.memory_space<hbm>>) target(%arg10 : memref<128x64xf32, #tpu.memory_space<vmem>>) offsets(%dma_start3A_218 : memref<128xi32, #tpu.memory_space<vmem>>) semaphore(%arg19 : memref<!tpu.dma_semaphore, #tpu.memory_space<semaphore_mem>>)
        %dma_start3A_222 = arith.constant 0 : i32
        %dma_start3A_223 = tpu.memref_slice %arg8[%sub3A_215, %dma_start3A_222] : memref<200x128xi32, #tpu.memory_space<vmem>> -> memref<1x128xi32, #tpu.memory_space<vmem>>
        %dma_start3A_224 = tpu.memref_squeeze %dma_start3A_223 : memref<1x128xi32, #tpu.memory_space<vmem>> -> memref<128xi32, #tpu.memory_space<vmem>>
        %dma_start3A_225 = arith.constant 0 : i32
        %dma_start3A_226 = arith.constant 0 : i32
        %dma_start3A_227 = tpu.memref_slice %arg17[%dma_start3A_225, %dma_start3A_226] : memref<201x64xf32, #tpu.memory_space<vmem_shared>> -> memref<201x64xf32, #tpu.memory_space<vmem_shared>>
        tpu.enqueue_indirect_dma source(%dma_start3A_227 : memref<201x64xf32, #tpu.memory_space<vmem_shared>>) target(%arg14 : memref<128x64xf32, #tpu.memory_space<vmem>>) offsets(%dma_start3A_224 : memref<128xi32, #tpu.memory_space<vmem>>) semaphore(%arg23 : memref<!tpu.dma_semaphore, #tpu.memory_space<semaphore_mem>>)
      } else {
      }
      %parallel_loop3A_163 = arith.constant 0 : i32
      %parallel_loop3A_164 = arith.constant 128 : i32
      %parallel_loop3A_165 = arith.constant 1 : i32
      scf.for %parallel_loop3A_208 = %parallel_loop3A_163 to %parallel_loop3A_164 step %parallel_loop3A_165  : i32 {
        %parallel_loop3A_209 = arith.index_cast %parallel_loop3A_208 : i32 to index
        %parallel_loop3A_210 = arith.constant 0 : index
        %parallel_loop3A_211 = tpu.vector_load %arg11[%parallel_loop3A_209, %parallel_loop3A_210] {strides = array<i32>} : memref<128x64xf32, #tpu.memory_space<vmem>>, vector<16xf32>,
        %parallel_loop3A_212 = arith.index_cast %parallel_loop3A_208 : i32 to index
        %parallel_loop3A_213 = arith.constant 0 : index
        %parallel_loop3A_214 = tpu.vector_load %arg15[%parallel_loop3A_212, %parallel_loop3A_213] {strides = array<i32>} : memref<128x64xf32, #tpu.memory_space<vmem>>, vector<16xf32>,
        %parallel_loop3A_215 = arith.addf %parallel_loop3A_211, %parallel_loop3A_214 : vector<16xf32>
        %parallel_loop3A_216 = arith.index_cast %parallel_loop3A_208 : i32 to index
        %parallel_loop3A_217 = arith.constant 0 : index
        %parallel_loop3A_218 = tpu.vector_load %arg11[%parallel_loop3A_216, %parallel_loop3A_217] {strides = array<i32>} : memref<128x64xf32, #tpu.memory_space<vmem>>, vector<16xf32>,
        tpu.vector_store %arg11[%parallel_loop3A_216, %parallel_loop3A_217], %parallel_loop3A_215 {strides = array<i32>} : memref<128x64xf32, #tpu.memory_space<vmem>>, vector<16xf32>,
        %parallel_loop3A_219 = arith.index_cast %parallel_loop3A_208 : i32 to index
        %parallel_loop3A_220 = arith.constant 16 : index
        %parallel_loop3A_221 = tpu.vector_load %arg11[%parallel_loop3A_219, %parallel_loop3A_220] {strides = array<i32>} : memref<128x64xf32, #tpu.memory_space<vmem>>, vector<16xf32>,
        %parallel_loop3A_222 = arith.index_cast %parallel_loop3A_208 : i32 to index
        %parallel_loop3A_223 = arith.constant 16 : index
        %parallel_loop3A_224 = tpu.vector_load %arg15[%parallel_loop3A_222, %parallel_loop3A_223] {strides = array<i32>} : memref<128x64xf32, #tpu.memory_space<vmem>>, vector<16xf32>,
        %parallel_loop3A_225 = arith.addf %parallel_loop3A_221, %parallel_loop3A_224 : vector<16xf32>
        %parallel_loop3A_226 = arith.index_cast %parallel_loop3A_208 : i32 to index
        %parallel_loop3A_227 = arith.constant 16 : index
        %parallel_loop3A_228 = tpu.vector_load %arg11[%parallel_loop3A_226, %parallel_loop3A_227] {strides = array<i32>} : memref<128x64xf32, #tpu.memory_space<vmem>>, vector<16xf32>,
        tpu.vector_store %arg11[%parallel_loop3A_226, %parallel_loop3A_227], %parallel_loop3A_225 {strides = array<i32>} : memref<128x64xf32, #tpu.memory_space<vmem>>, vector<16xf32>,
        %parallel_loop3A_229 = arith.index_cast %parallel_loop3A_208 : i32 to index
        %parallel_loop3A_230 = arith.constant 32 : index
        %parallel_loop3A_231 = tpu.vector_load %arg11[%parallel_loop3A_229, %parallel_loop3A_230] {strides = array<i32>} : memref<128x64xf32, #tpu.memory_space<vmem>>, vector<16xf32>,
        %parallel_loop3A_232 = arith.index_cast %parallel_loop3A_208 : i32 to index
        %parallel_loop3A_233 = arith.constant 32 : index
        %parallel_loop3A_234 = tpu.vector_load %arg15[%parallel_loop3A_232, %parallel_loop3A_233] {strides = array<i32>} : memref<128x64xf32, #tpu.memory_space<vmem>>, vector<16xf32>,
        %parallel_loop3A_235 = arith.addf %parallel_loop3A_231, %parallel_loop3A_234 : vector<16xf32>
        %parallel_loop3A_236 = arith.index_cast %parallel_loop3A_208 : i32 to index
        %parallel_loop3A_237 = arith.constant 32 : index
        %parallel_loop3A_238 = tpu.vector_load %arg11[%parallel_loop3A_236, %parallel_loop3A_237] {strides = array<i32>} : memref<128x64xf32, #tpu.memory_space<vmem>>, vector<16xf32>,
        tpu.vector_store %arg11[%parallel_loop3A_236, %parallel_loop3A_237], %parallel_loop3A_235 {strides = array<i32>} : memref<128x64xf32, #tpu.memory_space<vmem>>, vector<16xf32>,
        %parallel_loop3A_239 = arith.index_cast %parallel_loop3A_208 : i32 to index
        %parallel_loop3A_240 = arith.constant 48 : index
        %parallel_loop3A_241 = tpu.vector_load %arg11[%parallel_loop3A_239, %parallel_loop3A_240] {strides = array<i32>} : memref<128x64xf32, #tpu.memory_space<vmem>>, vector<16xf32>,
        %parallel_loop3A_242 = arith.index_cast %parallel_loop3A_208 : i32 to index
        %parallel_loop3A_243 = arith.constant 48 : index
        %parallel_loop3A_244 = tpu.vector_load %arg15[%parallel_loop3A_242, %parallel_loop3A_243] {strides = array<i32>} : memref<128x64xf32, #tpu.memory_space<vmem>>, vector<16xf32>,
        %parallel_loop3A_245 = arith.addf %parallel_loop3A_241, %parallel_loop3A_244 : vector<16xf32>
        %parallel_loop3A_246 = arith.index_cast %parallel_loop3A_208 : i32 to index
        %parallel_loop3A_247 = arith.constant 48 : index
        %parallel_loop3A_248 = tpu.vector_load %arg11[%parallel_loop3A_246, %parallel_loop3A_247] {strides = array<i32>} : memref<128x64xf32, #tpu.memory_space<vmem>>, vector<16xf32>,
        tpu.vector_store %arg11[%parallel_loop3A_246, %parallel_loop3A_247], %parallel_loop3A_245 {strides = array<i32>} : memref<128x64xf32, #tpu.memory_space<vmem>>, vector<16xf32>,
      } {sc.loop_unroll_factor = 4 : i64, sc.parallel_access}
      %mul3A_166 = arith.constant 128 : i32
      %mul3A_167 = arith.muli %add3A_141, %mul3A_166 : i32
      %add3A_168 = arith.addi %mul3A_2, %mul3A_167 : i32
      %dma_start3A_169 = arith.constant 0 : i32
      %dma_start3A_170 = tpu.memref_slice %arg6[%add3A_168, %dma_start3A_169] : memref<819200x64xf32, #tpu.memory_space<hbm>> -> memref<128x64xf32, #tpu.memory_space<hbm>>
      %dma_start3A_171 = arith.constant 0 : i32
      %dma_start3A_172 = tpu.memref_slice %arg6[%add3A_168, %dma_start3A_171] : memref<819200x64xf32, #tpu.memory_space<hbm>> -> memref<128x64xf32, #tpu.memory_space<hbm>>
      tpu.enqueue_dma source(%arg11 : memref<128x64xf32, #tpu.memory_space<vmem>>) target(%dma_start3A_172 : memref<128x64xf32, #tpu.memory_space<hbm>>) target_semaphore(%arg28 : memref<!tpu.dma_semaphore, #tpu.memory_space<semaphore_mem>>)
      %mul3A_173 = arith.constant 4 : i32
      %mul3A_174 = arith.muli %scan3A_70, %mul3A_173 : i32
      %add3A_175 = arith.constant 3 : i32
      %add3A_176 = arith.addi %mul3A_174, %add3A_175 : i32
      %dma_wait3A_177 = arith.constant 0 : i32
      %dma_wait3A_178 = arith.constant 0 : i32
      %dma_wait3A_179 = tpu.memref_slice %arg4[%dma_wait3A_177, %dma_wait3A_178] : memref<1000000x64xf32, #tpu.memory_space<hbm>> -> memref<128x64xf32, #tpu.memory_space<hbm>>
      %dma_wait3A_180 = arith.constant 0 : i32
      %dma_wait3A_181 = arith.constant 0 : i32
      %dma_wait3A_182 = tpu.memref_slice %arg4[%dma_wait3A_180, %dma_wait3A_181] : memref<1000000x64xf32, #tpu.memory_space<hbm>> -> memref<128x64xf32, #tpu.memory_space<hbm>>
      tpu.wait_dma2 semaphore(%arg21 : memref<!tpu.dma_semaphore, #tpu.memory_space<semaphore_mem>>) src(%dma_wait3A_182 : memref<128x64xf32, #tpu.memory_space<hbm>>) dst(%arg12 : memref<128x64xf32, #tpu.memory_space<vmem>>)
      %dma_wait3A_183 = arith.constant 0 : i32
      %dma_wait3A_184 = arith.constant 0 : i32
      %dma_wait3A_185 = tpu.memref_slice %arg4[%dma_wait3A_183, %dma_wait3A_184] : memref<1000000x64xf32, #tpu.memory_space<hbm>> -> memref<128x64xf32, #tpu.memory_space<hbm>>
      %dma_wait3A_186 = arith.constant 0 : i32
      %dma_wait3A_187 = arith.constant 0 : i32
      %dma_wait3A_188 = tpu.memref_slice %arg4[%dma_wait3A_186, %dma_wait3A_187] : memref<1000000x64xf32, #tpu.memory_space<hbm>> -> memref<128x64xf32, #tpu.memory_space<hbm>>
      tpu.wait_dma2 semaphore(%arg25 : memref<!tpu.dma_semaphore, #tpu.memory_space<semaphore_mem>>) src(%dma_wait3A_188 : memref<128x64xf32, #tpu.memory_space<hbm>>) dst(%arg16 : memref<128x64xf32, #tpu.memory_space<vmem>>)
      %add3A_189 = arith.constant 4 : i32
      %add3A_190 = arith.addi %add3A_176, %add3A_189 : i32
      %sub3A_191 = arith.constant 1 : i32
      %sub3A_192 = arith.subi %add3A_190, %sub3A_191 : i32
      %lt3A_193 = arith.constant 200 : i32
      %lt3A_194 = arith.cmpi slt, %sub3A_192, %lt3A_193 : i32
      %convert_element_type3A_195 = arith.extui %lt3A_194 : i1 to i32
      %cond3A_196 = arith.constant 0 : i32
      %cond3A_197 = arith.cmpi ne, %convert_element_type3A_195, %cond3A_196 : i32
      scf.if %cond3A_197 {
        %ge3A = arith.constant 1 : i32
        %ge3A_208 = arith.cmpi sge, %add3A_176, %ge3A : i32
        %convert_element_type3A_209 = arith.extui %ge3A_208 : i1 to i32
        %cond3A_210 = arith.constant 0 : i32
        %cond3A_211 = arith.cmpi ne, %convert_element_type3A_209, %cond3A_210 : i32
        scf.if %cond3A_211 {
          %dma_wait3A_228 = arith.constant 0 : i32
          %dma_wait3A_229 = tpu.memref_slice %arg6[%mul3A_2, %dma_wait3A_228] : memref<819200x64xf32, #tpu.memory_space<hbm>> -> memref<128x64xf32, #tpu.memory_space<hbm>>
          %dma_wait3A_230 = arith.constant 0 : i32
          %dma_wait3A_231 = tpu.memref_slice %arg6[%mul3A_2, %dma_wait3A_230] : memref<819200x64xf32, #tpu.memory_space<hbm>> -> memref<128x64xf32, #tpu.memory_space<hbm>>
          tpu.wait_dma2 semaphore(%arg28 : memref<!tpu.dma_semaphore, #tpu.memory_space<semaphore_mem>>) src(%arg11 : memref<128x64xf32, #tpu.memory_space<vmem>>) dst(%dma_wait3A_231 : memref<128x64xf32, #tpu.memory_space<hbm>>)
        } else {
        }
        %add3A_212 = arith.constant 4 : i32
        %add3A_213 = arith.addi %add3A_176, %add3A_212 : i32
        %sub3A_214 = arith.constant 1 : i32
        %sub3A_215 = arith.subi %add3A_213, %sub3A_214 : i32
        %dma_start3A_216 = arith.constant 0 : i32
        %dma_start3A_217 = tpu.memref_slice %arg7[%sub3A_215, %dma_start3A_216] : memref<200x128xi32, #tpu.memory_space<vmem>> -> memref<1x128xi32, #tpu.memory_space<vmem>>
        %dma_start3A_218 = tpu.memref_squeeze %dma_start3A_217 : memref<1x128xi32, #tpu.memory_space<vmem>> -> memref<128xi32, #tpu.memory_space<vmem>>
        %dma_start3A_219 = arith.constant 0 : i32
        %dma_start3A_220 = arith.constant 0 : i32
        %dma_start3A_221 = tpu.memref_slice %arg4[%dma_start3A_219, %dma_start3A_220] : memref<1000000x64xf32, #tpu.memory_space<hbm>> -> memref<1000000x64xf32, #tpu.memory_space<hbm>>
        tpu.enqueue_indirect_dma source(%dma_start3A_221 : memref<1000000x64xf32, #tpu.memory_space<hbm>>) target(%arg11 : memref<128x64xf32, #tpu.memory_space<vmem>>) offsets(%dma_start3A_218 : memref<128xi32, #tpu.memory_space<vmem>>) semaphore(%arg20 : memref<!tpu.dma_semaphore, #tpu.memory_space<semaphore_mem>>)
        %dma_start3A_222 = arith.constant 0 : i32
        %dma_start3A_223 = tpu.memref_slice %arg8[%sub3A_215, %dma_start3A_222] : memref<200x128xi32, #tpu.memory_space<vmem>> -> memref<1x128xi32, #tpu.memory_space<vmem>>
        %dma_start3A_224 = tpu.memref_squeeze %dma_start3A_223 : memref<1x128xi32, #tpu.memory_space<vmem>> -> memref<128xi32, #tpu.memory_space<vmem>>
        %dma_start3A_225 = arith.constant 0 : i32
        %dma_start3A_226 = arith.constant 0 : i32
        %dma_start3A_227 = tpu.memref_slice %arg17[%dma_start3A_225, %dma_start3A_226] : memref<201x64xf32, #tpu.memory_space<vmem_shared>> -> memref<201x64xf32, #tpu.memory_space<vmem_shared>>
        tpu.enqueue_indirect_dma source(%dma_start3A_227 : memref<201x64xf32, #tpu.memory_space<vmem_shared>>) target(%arg15 : memref<128x64xf32, #tpu.memory_space<vmem>>) offsets(%dma_start3A_224 : memref<128xi32, #tpu.memory_space<vmem>>) semaphore(%arg24 : memref<!tpu.dma_semaphore, #tpu.memory_space<semaphore_mem>>)
      } else {
      }
      %parallel_loop3A_198 = arith.constant 0 : i32
      %parallel_loop3A_199 = arith.constant 128 : i32
      %parallel_loop3A_200 = arith.constant 1 : i32
      scf.for %parallel_loop3A_208 = %parallel_loop3A_198 to %parallel_loop3A_199 step %parallel_loop3A_200  : i32 {
        %parallel_loop3A_209 = arith.index_cast %parallel_loop3A_208 : i32 to index
        %parallel_loop3A_210 = arith.constant 0 : index
        %parallel_loop3A_211 = tpu.vector_load %arg12[%parallel_loop3A_209, %parallel_loop3A_210] {strides = array<i32>} : memref<128x64xf32, #tpu.memory_space<vmem>>, vector<16xf32>,
        %parallel_loop3A_212 = arith.index_cast %parallel_loop3A_208 : i32 to index
        %parallel_loop3A_213 = arith.constant 0 : index
        %parallel_loop3A_214 = tpu.vector_load %arg16[%parallel_loop3A_212, %parallel_loop3A_213] {strides = array<i32>} : memref<128x64xf32, #tpu.memory_space<vmem>>, vector<16xf32>,
        %parallel_loop3A_215 = arith.addf %parallel_loop3A_211, %parallel_loop3A_214 : vector<16xf32>
        %parallel_loop3A_216 = arith.index_cast %parallel_loop3A_208 : i32 to index
        %parallel_loop3A_217 = arith.constant 0 : index
        %parallel_loop3A_218 = tpu.vector_load %arg12[%parallel_loop3A_216, %parallel_loop3A_217] {strides = array<i32>} : memref<128x64xf32, #tpu.memory_space<vmem>>, vector<16xf32>,
        tpu.vector_store %arg12[%parallel_loop3A_216, %parallel_loop3A_217], %parallel_loop3A_215 {strides = array<i32>} : memref<128x64xf32, #tpu.memory_space<vmem>>, vector<16xf32>,
        %parallel_loop3A_219 = arith.index_cast %parallel_loop3A_208 : i32 to index
        %parallel_loop3A_220 = arith.constant 16 : index
        %parallel_loop3A_221 = tpu.vector_load %arg12[%parallel_loop3A_219, %parallel_loop3A_220] {strides = array<i32>} : memref<128x64xf32, #tpu.memory_space<vmem>>, vector<16xf32>,
        %parallel_loop3A_222 = arith.index_cast %parallel_loop3A_208 : i32 to index
        %parallel_loop3A_223 = arith.constant 16 : index
        %parallel_loop3A_224 = tpu.vector_load %arg16[%parallel_loop3A_222, %parallel_loop3A_223] {strides = array<i32>} : memref<128x64xf32, #tpu.memory_space<vmem>>, vector<16xf32>,
        %parallel_loop3A_225 = arith.addf %parallel_loop3A_221, %parallel_loop3A_224 : vector<16xf32>
        %parallel_loop3A_226 = arith.index_cast %parallel_loop3A_208 : i32 to index
        %parallel_loop3A_227 = arith.constant 16 : index
        %parallel_loop3A_228 = tpu.vector_load %arg12[%parallel_loop3A_226, %parallel_loop3A_227] {strides = array<i32>} : memref<128x64xf32, #tpu.memory_space<vmem>>, vector<16xf32>,
        tpu.vector_store %arg12[%parallel_loop3A_226, %parallel_loop3A_227], %parallel_loop3A_225 {strides = array<i32>} : memref<128x64xf32, #tpu.memory_space<vmem>>, vector<16xf32>,
        %parallel_loop3A_229 = arith.index_cast %parallel_loop3A_208 : i32 to index
        %parallel_loop3A_230 = arith.constant 32 : index
        %parallel_loop3A_231 = tpu.vector_load %arg12[%parallel_loop3A_229, %parallel_loop3A_230] {strides = array<i32>} : memref<128x64xf32, #tpu.memory_space<vmem>>, vector<16xf32>,
        %parallel_loop3A_232 = arith.index_cast %parallel_loop3A_208 : i32 to index
        %parallel_loop3A_233 = arith.constant 32 : index
        %parallel_loop3A_234 = tpu.vector_load %arg16[%parallel_loop3A_232, %parallel_loop3A_233] {strides = array<i32>} : memref<128x64xf32, #tpu.memory_space<vmem>>, vector<16xf32>,
        %parallel_loop3A_235 = arith.addf %parallel_loop3A_231, %parallel_loop3A_234 : vector<16xf32>
        %parallel_loop3A_236 = arith.index_cast %parallel_loop3A_208 : i32 to index
        %parallel_loop3A_237 = arith.constant 32 : index
        %parallel_loop3A_238 = tpu.vector_load %arg12[%parallel_loop3A_236, %parallel_loop3A_237] {strides = array<i32>} : memref<128x64xf32, #tpu.memory_space<vmem>>, vector<16xf32>,
        tpu.vector_store %arg12[%parallel_loop3A_236, %parallel_loop3A_237], %parallel_loop3A_235 {strides = array<i32>} : memref<128x64xf32, #tpu.memory_space<vmem>>, vector<16xf32>,
        %parallel_loop3A_239 = arith.index_cast %parallel_loop3A_208 : i32 to index
        %parallel_loop3A_240 = arith.constant 48 : index
        %parallel_loop3A_241 = tpu.vector_load %arg12[%parallel_loop3A_239, %parallel_loop3A_240] {strides = array<i32>} : memref<128x64xf32, #tpu.memory_space<vmem>>, vector<16xf32>,
        %parallel_loop3A_242 = arith.index_cast %parallel_loop3A_208 : i32 to index
        %parallel_loop3A_243 = arith.constant 48 : index
        %parallel_loop3A_244 = tpu.vector_load %arg16[%parallel_loop3A_242, %parallel_loop3A_243] {strides = array<i32>} : memref<128x64xf32, #tpu.memory_space<vmem>>, vector<16xf32>,
        %parallel_loop3A_245 = arith.addf %parallel_loop3A_241, %parallel_loop3A_244 : vector<16xf32>
        %parallel_loop3A_246 = arith.index_cast %parallel_loop3A_208 : i32 to index
        %parallel_loop3A_247 = arith.constant 48 : index
        %parallel_loop3A_248 = tpu.vector_load %arg12[%parallel_loop3A_246, %parallel_loop3A_247] {strides = array<i32>} : memref<128x64xf32, #tpu.memory_space<vmem>>, vector<16xf32>,
        tpu.vector_store %arg12[%parallel_loop3A_246, %parallel_loop3A_247], %parallel_loop3A_245 {strides = array<i32>} : memref<128x64xf32, #tpu.memory_space<vmem>>, vector<16xf32>,
      } {sc.loop_unroll_factor = 4 : i64, sc.parallel_access}
      %mul3A_201 = arith.constant 128 : i32
      %mul3A_202 = arith.muli %add3A_176, %mul3A_201 : i32
      %add3A_203 = arith.addi %mul3A_2, %mul3A_202 : i32
      %dma_start3A_204 = arith.constant 0 : i32
      %dma_start3A_205 = tpu.memref_slice %arg6[%add3A_203, %dma_start3A_204] : memref<819200x64xf32, #tpu.memory_space<hbm>> -> memref<128x64xf32, #tpu.memory_space<hbm>>
      %dma_start3A_206 = arith.constant 0 : i32
      %dma_start3A_207 = tpu.memref_slice %arg6[%add3A_203, %dma_start3A_206] : memref<819200x64xf32, #tpu.memory_space<hbm>> -> memref<128x64xf32, #tpu.memory_space<hbm>>
      tpu.enqueue_dma source(%arg12 : memref<128x64xf32, #tpu.memory_space<vmem>>) target(%dma_start3A_207 : memref<128x64xf32, #tpu.memory_space<hbm>>) target_semaphore(%arg29 : memref<!tpu.dma_semaphore, #tpu.memory_space<semaphore_mem>>)
    }
    %scan3A_54 = arith.constant 50 : i32
    %dma_wait3A = arith.constant 0 : i32
    %dma_wait3A_55 = tpu.memref_slice %arg6[%mul3A_2, %dma_wait3A] : memref<819200x64xf32, #tpu.memory_space<hbm>> -> memref<128x64xf32, #tpu.memory_space<hbm>>
    %dma_wait3A_56 = arith.constant 0 : i32
    %dma_wait3A_57 = tpu.memref_slice %arg6[%mul3A_2, %dma_wait3A_56] : memref<819200x64xf32, #tpu.memory_space<hbm>> -> memref<128x64xf32, #tpu.memory_space<hbm>>
    tpu.wait_dma2 semaphore(%arg26 : memref<!tpu.dma_semaphore, #tpu.memory_space<semaphore_mem>>) src(%arg9 : memref<128x64xf32, #tpu.memory_space<vmem>>) dst(%dma_wait3A_57 : memref<128x64xf32, #tpu.memory_space<hbm>>)
    %dma_wait3A_58 = arith.constant 0 : i32
    %dma_wait3A_59 = tpu.memref_slice %arg6[%mul3A_2, %dma_wait3A_58] : memref<819200x64xf32, #tpu.memory_space<hbm>> -> memref<128x64xf32, #tpu.memory_space<hbm>>
    %dma_wait3A_60 = arith.constant 0 : i32
    %dma_wait3A_61 = tpu.memref_slice %arg6[%mul3A_2, %dma_wait3A_60] : memref<819200x64xf32, #tpu.memory_space<hbm>> -> memref<128x64xf32, #tpu.memory_space<hbm>>
    tpu.wait_dma2 semaphore(%arg27 : memref<!tpu.dma_semaphore, #tpu.memory_space<semaphore_mem>>) src(%arg10 : memref<128x64xf32, #tpu.memory_space<vmem>>) dst(%dma_wait3A_61 : memref<128x64xf32, #tpu.memory_space<hbm>>)
    %dma_wait3A_62 = arith.constant 0 : i32
    %dma_wait3A_63 = tpu.memref_slice %arg6[%mul3A_2, %dma_wait3A_62] : memref<819200x64xf32, #tpu.memory_space<hbm>> -> memref<128x64xf32, #tpu.memory_space<hbm>>
    %dma_wait3A_64 = arith.constant 0 : i32
    %dma_wait3A_65 = tpu.memref_slice %arg6[%mul3A_2, %dma_wait3A_64] : memref<819200x64xf32, #tpu.memory_space<hbm>> -> memref<128x64xf32, #tpu.memory_space<hbm>>
    tpu.wait_dma2 semaphore(%arg28 : memref<!tpu.dma_semaphore, #tpu.memory_space<semaphore_mem>>) src(%arg11 : memref<128x64xf32, #tpu.memory_space<vmem>>) dst(%dma_wait3A_65 : memref<128x64xf32, #tpu.memory_space<hbm>>)
    %dma_wait3A_66 = arith.constant 0 : i32
    %dma_wait3A_67 = tpu.memref_slice %arg6[%mul3A_2, %dma_wait3A_66] : memref<819200x64xf32, #tpu.memory_space<hbm>> -> memref<128x64xf32, #tpu.memory_space<hbm>>
    %dma_wait3A_68 = arith.constant 0 : i32
    %dma_wait3A_69 = tpu.memref_slice %arg6[%mul3A_2, %dma_wait3A_68] : memref<819200x64xf32, #tpu.memory_space<hbm>> -> memref<128x64xf32, #tpu.memory_space<hbm>>
    tpu.wait_dma2 semaphore(%arg29 : memref<!tpu.dma_semaphore, #tpu.memory_space<semaphore_mem>>) src(%arg12 : memref<128x64xf32, #tpu.memory_space<vmem>>) dst(%dma_wait3A_69 : memref<128x64xf32, #tpu.memory_space<hbm>>)
    return
  }
}

module attributes {stable_mosaic.version = 14 : i64} {
  func.func @_pos_body(%arg0: i32, %arg1: memref<512x200xi32, #tpu.memory_space<vmem>>, %arg2: memref<512x200xi32, #tpu.memory_space<vmem>>) attributes {dimension_semantics = [#tpu.dimension_semantics<arbitrary>], iteration_bounds = array<i64: 8>, scalar_prefetch = 0 : i64, scratch_operands = 0 : i64, tpu.core_type = #tpu.core_type<tc>, window_params = [{transform_indices = @transform_0, window_bounds = array<i64: 512, 200>}, {transform_indices = @transform_1, window_bounds = array<i64: 512, 200>}]} {
    %get3A = arith.constant 0 : index
    %get3A_0 = arith.constant 0 : index
    %get3A_1 = vector.load %arg1[%get3A, %get3A_0] : memref<512x200xi32, #tpu.memory_space<vmem>>, vector<512x200xi32>
    %convert_element_type3A = arith.sitofp %get3A_1 : vector<512x200xi32> to vector<512x200xf32>
    %iota3A = tpu.iota {dimensions = array<i32: 0>} : vector<200x200xi32>
    %iota3A_2 = tpu.iota {dimensions = array<i32: 1>} : vector<200x200xi32>
    %le3A = arith.cmpi sle, %iota3A, %iota3A_2 : vector<200x200xi32>
    %convert_element_type3A_3 = arith.extui %le3A : vector<200x200xi1> to vector<200x200xi32>
    %convert_element_type3A_4 = arith.sitofp %convert_element_type3A_3 : vector<200x200xi32> to vector<200x200xf32>
    %dot_general3A = arith.constant dense<0.000000e+00> : vector<512x200xf32>
    %dot_general3A_5 = tpu.matmul %convert_element_type3A, %convert_element_type3A_4, %dot_general3A {dimension_numbers = #tpu.dot_dimension_numbers<[1], [0], [0], [1], [0, 0, 1, 1], [], []>, transpose_lhs_hint = false} : vector<512x200xf32>, vector<200x200xf32>, vector<512x200xf32> -> vector<512x200xf32>
    %mul3A = arith.mulf %dot_general3A_5, %convert_element_type3A : vector<512x200xf32>
    %convert_element_type3A_6 = arith.fptosi %mul3A : vector<512x200xf32> to vector<512x200xi32>
    %swap3A = arith.constant 0 : index
    %swap3A_7 = arith.constant 0 : index
    %swap3A_8 = vector.load %arg2[%swap3A, %swap3A_7] : memref<512x200xi32, #tpu.memory_space<vmem>>, vector<512x200xi32>
    tpu.vector_store %arg2[%swap3A, %swap3A_7], %convert_element_type3A_6 {strides = array<i32>} : memref<512x200xi32, #tpu.memory_space<vmem>>, vector<512x200xi32>,
    return
  }
  func.func @transform_0(%arg0: i32) -> (i32, i32) {
    %c0_i32 = arith.constant 0 : i32
    %c0_i32_0 = arith.constant 0 : i32
    return %arg0, %c0_i32 : i32, i32
  }
  func.func @transform_1(%arg0: i32) -> (i32, i32) {
    %c0_i32 = arith.constant 0 : i32
    %c0_i32_0 = arith.constant 0 : i32
    return %arg0, %c0_i32 : i32, i32
  }
}

</mosaic_0001>

<sc_bundles>
// kernel: kernel.4.cloned.1.call-start
scs
__scs_entry_jumppad:
0x0: {  	(pc) =	sbr.rel $0x88, $3  }
0x1: {  	(tag) =	ssettag $0x0;
	lr =	simm.s32 $0x1  }
0x2: {  	[smem:$0x3F9D] =	sst lr;
	_ =	strace $0xD0000000  }
0x3: {  	_ = 	snop  }
0x4: {  	_ = 	snop  }
0x5: {  	_ = 	snop  }
0x6: {  	_ = 	snop  }
0x7: {  	_ = 	snop  }
__scs_overlays_trampoline_lowered:
0x8: {  	[smem:$0x3FAC] =	sst s0  }
0x9: {  	[smem:$0x3FAD] =	sst s1  }
0xa: {  	[smem:$0x3FAE] =	sst s2  }
0xb: {  	[smem:$0x3FAF] =	sst s3  }
0xc: {  	[smem:$0x3FB0] =	sst s4  }
0xd: {  	[smem:$0x3FB1] =	sst s5  }
0xe: {  	[smem:$0x3FB2] =	sst s6  }
0xf: {  	[smem:$0x3FB3] =	sst s7  }
0x10: {  	[smem:$0x3FB4] =	sst s8  }
0x11: {  	[smem:$0x3FB5] =	sst s9;
	s0 =	simm.s32 @!p0 $0x0  }
0x12: {  	s1 =	sld [smem:$0x3F9B];
	s0 =	simm.s32 @p0 $0x1  }
0x13: {  	[smem:$0x3FB6] =	sst s0;
	s0 =	simm.s32 @!p1 $0x0  }
0x14: {  	s2 =	sld [smem:$0x3F9A];
	s0 =	simm.s32 @p1 $0x1  }
0x15: {  	[smem:$0x3FB7] =	sst s0;
	s0 =	simm.s32 @!p2 $0x0  }
0x16: {  	s3 =	sld [smem:$0x3FDB];
	s0 =	simm.s32 @p2 $0x1  }
0x17: {  	s4 =	simm.s32 $0x1BF5;
	[smem:$0x3FB9] =	sst s0  }
0x18: {  	s0 =	sld [smem:$0x3F9C];
	_ =	swait.ge [sflag:s4], $0x0  }
0x19: {  	s7 =	sld [smem:$0x3F9D]  }
0x1a: {  	s8 =	sadd.s32 $0xFFFFE003, lr  }
0x1b: {  	s9 =	sadd.s32 $0xFFFFFEF7, lr;
	s5 =	simm.s32 $0xFFFFFFFF;
	p2 =	slt.u32 s8, $0xFFFFF086  }
0x1c: {  	p1 =	slt.u32 s9, $0xF7A;
	s5 =	simm.s32 @!p2 $0x0  }
0x1d: {  	s5 =	simm.s32 @p1 $0x1;
	p0 =	seq.s32 s7, s2  }
0x1e: {  	s7 =	smul.u32 @!p0 $0xF7A, s2;
	p2 =	seq.s32 @!p0 s5, $0x0  }
0x1f: {  	s9 =	smul.u32 $0xF7A, s1;
	s8 =	simm.s32 @!p0 $0x1BF5;
	p2 =	por !p2, p0  }
0x20: {  	[sflag:s8] =	ssyncset.s32 @!p0 $0xFFFFF086;
	s6 =	sadd.s32 @!p0 s3, s7;
	s7 =	simm.s32 @!p0 $0x108  }
0x21: {  	s3 =	sadd.s32 s3, s9;
	s6 =	sadd.s32 @!p0 $0x88, s6;
	s7 =	simm.s32 @p2 $0x1082  }
0x22: {  	[simem:s7], [sflag:s8] =	dma.local @!p0 [hbm:s6], $0xF7A  }
0x23: {  	s9 =	sor.u32 $0xD0000000, s2;
	s6 =	simm.s32 $0x108;
	_ =	swait.ge @!p0 [sflag:s8], $0x0  }
0x24: {  	s3 =	sadd.s32 $0x88, s3;
	s6 =	simm.s32 @!p1 $0x1082;
	[sflag:s4] =	ssyncset.s32 $0xFFFFF086  }
0x25: {  	[simem:s6], [sflag:s4] =	dma.local [hbm:s3], $0xF7A  }
0x26: {  	[smem:$0x3F9D] =	sst s1;
	(tag) =	ssettag s2;
	_ =	strace s9  }
0x27: {  	s1 =	sld [smem:$0x3FAD]  }
0x28: {  	s2 =	sld [smem:$0x3FAE]  }
0x29: {  	s4 =	sld [smem:$0x3FB0]  }
0x2a: {  	p0 =	seq.s32 s5, $0x0;
	s5 =	sld [smem:$0x3FB1]  }
0x2b: {  	s6 =	sld [smem:$0x3FB2]  }
0x2c: {  	s7 =	sld [smem:$0x3FB3]  }
0x2d: {  	s3 =	simm.s32 $0x108;
	s8 =	sld [smem:$0x3FB4]  }
0x2e: {  	s3 =	simm.s32 @!p0 $0x1082;
	s9 =	sld [smem:$0x3FB5]  }
0x2f: {  	lr =	sadd.s32 s0, s3;
	s0 =	sld [smem:$0x3FAC]  }
0x30: {  	s3 =	sld [smem:$0x3FAF]  }
0x31: {  	[smem:$0x3FB8] =	sst s10  }
0x32: {  	s10 =	sld [smem:$0x3FB6];
	_ =	sdelay $0x3  }
0x33: {  	p0 =	seq.s32 s10, $0x1;
	s10 =	sld [smem:$0x3FB8];
	_ =	sdelay $0x3  }
0x34: {  	[smem:$0x3FB8] =	sst s10  }
0x35: {  	s10 =	sld [smem:$0x3FB7];
	_ =	sdelay $0x3  }
0x36: {  	p1 =	seq.s32 s10, $0x1;
	s10 =	sld [smem:$0x3FB8];
	_ =	sdelay $0x3  }
0x37: {  	[smem:$0x3FB8] =	sst s10  }
0x38: {  	s10 =	sld [smem:$0x3FB9]  }
0x39: {  	_ = 	snop;
	(pc) =	sbr.ind lr, $3  }
0x3a: {  	_ = 	snop  }
0x3b: {  	_ = 	snop  }
0x3c: {  	p2 =	seq.s32 s10, $0x1;
	s10 =	sld [smem:$0x3FB8]  }
0x3d: {  	_ =	shalt  }
0x3e: {  	_ =	shalt  }
0x3f: {  	_ =	shalt  }
0x40: {  	_ =	shalt  }
0x41: {  	_ =	shalt  }
0x42: {  	_ =	shalt  }
0x43: {  	_ =	shalt  }
0x44: {  	_ =	shalt  }
0x45: {  	_ =	shalt  }
0x46: {  	_ =	shalt  }
0x47: {  	_ =	shalt  }
0x48: {  	_ =	shalt  }
0x49: {  	_ =	shalt  }
0x4a: {  	_ =	shalt  }
0x4b: {  	_ =	shalt  }
0x4c: {  	_ =	shalt  }
0x4d: {  	_ =	shalt  }
0x4e: {  	_ =	shalt  }
0x4f: {  	_ =	shalt  }
0x50: {  	_ =	shalt  }
0x51: {  	_ =	shalt  }
0x52: {  	_ =	shalt  }
0x53: {  	_ =	shalt  }
0x54: {  	_ =	shalt  }
0x55: {  	_ =	shalt  }
0x56: {  	_ =	shalt  }
0x57: {  	_ =	shalt  }
0x58: {  	_ =	shalt  }
0x59: {  	_ =	shalt  }
0x5a: {  	_ =	shalt  }
0x5b: {  	_ =	shalt  }
0x5c: {  	_ =	shalt  }
0x5d: {  	_ =	shalt  }
0x5e: {  	_ =	shalt  }
0x5f: {  	_ =	shalt  }
0x60: {  	_ =	shalt  }
0x61: {  	_ =	shalt  }
0x62: {  	_ =	shalt  }
0x63: {  	_ =	shalt  }
0x64: {  	_ =	shalt  }
0x65: {  	_ =	shalt  }
0x66: {  	_ =	shalt  }
0x67: {  	_ =	shalt  }
0x68: {  	_ =	shalt  }
0x69: {  	_ =	shalt  }
0x6a: {  	_ =	shalt  }
0x6b: {  	_ =	shalt  }
0x6c: {  	_ =	shalt  }
0x6d: {  	_ =	shalt  }
0x6e: {  	_ =	shalt  }
0x6f: {  	_ =	shalt  }
0x70: {  	_ =	shalt  }
0x71: {  	_ =	shalt  }
0x72: {  	_ =	shalt  }
0x73: {  	_ =	shalt  }
0x74: {  	_ =	shalt  }
0x75: {  	_ =	shalt  }
0x76: {  	_ =	shalt  }
0x77: {  	_ =	shalt  }
0x78: {  	_ =	shalt  }
0x79: {  	_ =	shalt  }
0x7a: {  	_ =	shalt  }
0x7b: {  	_ =	shalt  }
0x7c: {  	_ =	shalt  }
0x7d: {  	_ =	shalt  }
0x7e: {  	_ =	shalt  }
0x7f: {  	_ =	shalt  }
0x80: {  	_ =	shalt  }
0x81: {  	_ =	shalt  }
0x82: {  	_ =	shalt  }
0x83: {  	_ =	shalt  }
0x84: {  	_ =	shalt  }
0x85: {  	_ =	shalt  }
0x86: {  	_ =	shalt  }
0x87: {  	_ =	shalt  }
.Lfunc_end0:
.L_simem_size_0:
called_computation.1_lowered:
.L_overlay_start_0:
0x88: {  	s2 =	sld [smem:$0x3FD9]  }
0x89: {  	s3 =	sld [smem:$0x3FFE];
	_ =	sdelay $0x1  }
0x8a: {  	s1 =	srdreg.scid  }
0x8b: {  	s0 =	sand.u32 $0x1, s1  }
0x8c: {  	s17 =	sshll.u32 s0, $0xA;
	s2 =	sadd.s32 s3, s2  }
0x8d: {  	s2 =	sadd.s32 s2, s17  }
0x8e: {  	[smem:$0x3FC4] =	sst s2  }
0x8f: {  	_ = 	snop  }
0x90: {  	s2 =	sld [smem:$0x3FD0];
	(tm) =	ssettm $0x1  }
0x91: {  	s18 =	sld [smem:$0x3FFB];
	_ =	sdelay $0x3  }
0x92: {  	_ =	strace s18  }
0x93: {  	s3 =	sld [smem:$0x3FFC];
	_ =	sdelay $0x3  }
0x94: {  	_ =	strace s3  }
0x95: {  	s3 =	sld [smem:$0x3FFD];
	_ =	sdelay $0x3  }
0x96: {  	_ =	strace s3  }
0x97: {  	_ =	strace $0x8FFFFFFF  }
0x98: {  	s19 =	sld [smem:$0x3FDB];
	_ =	sdelay $0x1  }
0x99: {  	s4 =	simm.s32 $_scs_section_size  }
0x9a: {  	s5 =	simm.s32 $_size__tile_overlayer_lowered;
	s6 =	simm.s32 $_tile_overlayer_lowered  }
0x9b: {  	s22 =	simm.s32 $0x1BFF;
	s21 =	sshll.u32 s6, $0x1;
	s3 =	sadd.s32 s4, s19  }
0x9c: {  	s7 =	simm.s32 $0x0;
	s20 =	sshll.u32 s5, $0x1;
	s5 =	sadd.s32 s21, s3  }
0x9d: {  	[timem:s7], [sflag:s22] =	dma.local [hbm:s5], s20  }
0x9e: {  	_ =	swait.ge [sflag:s22], s20  }
0x9f: {  	s4 =	ssub.s32 $0x0, s20;
	[sflag:s22] =	ssyncset.done $0x0  }
0xa0: {  	[sflag:s22] =	ssyncadd.s32 s4;
	_ =	sdelay $0x1  }
0xa1: {  	s23 =	simm.s32 $0x1B8B  }
0xa2: {  	_ =	swait.ge [sflag:s23], $0x1  }
0xa3: {  	[sflag:s23] =	ssyncset.done $0x0  }
0xa4: {  	s25 =	simm.s32 $0x1B8E;
	s24 =	sld [smem:$0x3FFE];
	[sflag:s23] =	ssyncadd.s32 $0xFFFFFFFF  }
0xa5: {  	s26 =	simm.s32 $execute0_lowered;
	[smem:$0x3FD2] =	sst s25  }
0xa6: {  	s5 =	sshll.u32 s26, $0x1;
	_ =	strace $0x80000046;
	[dreg:$0x1] =	wrdreg $0xFFFFFFFF  }
0xa7: {  	s28 =	simm.s32 $_size_execute0_lowered;
	s3 =	sadd.s32 s3, s5;
	[dreg:$0x0] =	wrdreg $0x0  }
0xa8: {  	s5 =	sshll.u32 s28, $0x1;
	[dreg:$0x2] =	wrdreg s3  }
0xa9: {  	[dreg:$0x3] =	wrdreg s5  }
0xaa: {  	[dreg:$0x4] =	wrdreg $0xC0  }
0xab: {  	_ =	task [dreg:s7], $0x5FFFF  }
0xac: {  	[dreg:$0x1] =	wrdreg $0xFFFFFFFF  }
0xad: {  	[dreg:$0x0] =	wrdreg $0x60  }
0xae: {  	[dreg:$0x2] =	wrdreg s24  }
0xaf: {  	[dreg:$0x3] =	wrdreg s2  }
0xb0: {  	[dreg:$0x4] =	wrdreg $0x1C8000  }
0xb1: {  	[dreg:$0x5] =	wrdreg $0x9  }
0xb2: {  	_ =	task.clear_ibuf [dreg:s7], $0x6FFFF;
	_ =	strace $0x90000046  }
0xb3: {  	s29 =	simm.s32 $0x9;
	_ =	strace $0x80000048  }
0xb4: {  	_ =	swait.ge [sflag:s29], $0x1  }
0xb5: {  	[sflag:s29] =	ssyncadd.s32 $0xFFFFFFFF  }
0xb6: {  	_ =	strace $0x90000048  }
0xb7: {  	_ =	sfence  }
0xb8: {  	s30 =	sld [smem:$0x0];
	_ =	sdelay $0x2  }
0xb9: {  	s31 =	sshll.u32 s1, $0xD;
	s1 =	sshrl.u32 s1, $0x2  }
0xba: {  	s3 =	sand.u32 $0x4000, s31;
	s1 =	sadd.s32 s1, s30  }
0xbb: {  	s0 =	sor.u32 s3, s0;
	s1 =	sshll.u32 s1, $0x11  }
0xbc: {  	s0 =	sor.u32 s1, s0  }
0xbd: {  	s0 =	sadd.s32 $0x8F2B, s0  }
0xbe: {  	[sflag:s0] =	ssyncadd.remote.s32 $0x1  }
0xbf: {  	_ =	sfence.sel $0xFFFF  }
0xc0: {  	[dreg:$0x0] =	wrdreg $0xFFFFFFFF;
	(pc) =	sbr.abs _section_cstart, $3  }
0xc1: {  	[dreg:$0x1] =	wrdreg $0xFFFFFFFF  }
0xc2: {  	_ =	task.clear_ibuf [dreg:s7], $0x2FFFF;
	_ =	strace $0x9FFFFFFF  }
0xc3: {  	(tm) =	ssettm $0x7FFFFFFF  }
tec
execute0_lowered:
.L_overlay_start_1:
0x0: {  	(tag) =	ssettag $0x1  }
0x1: {  	s1 =	rddreg [dreg:$0x0]  }
0x2: {  	s0 =	rddreg [dreg:$0x1]  }
0x3: {  	s3 =	srdreg.scid;
	s5 =	stileid.u32  }
0x4: {  	s2 =	rddreg [dreg:$0x2];
	s13 =	simm.s32 $0xD;
	s15 =	simm.s32 $0x80  }
0x5: {  	s16 =	simm.s32 $0xC800;
	s18 =	simm.s32 $0xE800;
	s22 =	simm.s32 $0x10800  }
0x6: {  	s28 =	simm.s32 $0x12800;
	s29 =	simm.s32 $0x1A800;
	s30 =	simm.s32 $0x2  }
0x7: {  	s31 =	simm.s32 $0x6;
	s17 =	simm.s32 $0x7;
	s19 =	simm.s32 $0x4  }
0x8: {  	s20 =	simm.s32 $0x8;
	s6 =	sand.u32 $0x1, s3;
	s4 =	sshll.u32 s5, $0x1  }
0x9: {  	s14 =	simm.s32 $0xC;
	s3 =	simm.s32 $0x0;
	s7 =	sor.u32 s6, s4  }
0xa: {  	p0 =	sne.s32 s5, $0x0;
	s5 =	simm.s32 $0x0;
	s4 =	smul.u32 $0xC80, s7  }
0xb: {  	[smem:$0x7FF] =	sst s3;
	s6 =	ssub.s32 $0x2, s6;
	s10 =	smul.u32 $0x6400, s7  }
0xc: {  	_ =	strace $0x80000047;
	s24 =	sshrl.u32 s6, $0x1;
	s8 =	sadd.s32 s4, s1  }
0xd: {  	s4 =	sadd.s32 $0xF43200, s1;
	s1 =	sadd.s32 $0x32E00, s1;
	s9 =	sor.u32 $0x80, s10  }
0xe: {  	s10 =	sor.u32 $0x100, s10;
	[dreg:$0x4] =	wrdreg s1;
	s25 =	sadd.s32 $0x19E00, s8  }
0xf: {  	s1 =	ssub.s32 s6, s24;
	s26 =	sadd.s32 $0xE00, s8;
	[dreg:$0x5] =	wrdreg s25  }
0x10: {  	s8 =	smul.u32 $0x190000, s7;
	[dreg:$0x6] =	wrdreg s26;
	s1 =	smax.u32 s1, $0x1  }
0x11: {  	s25 =	simm.s32 $0x1;
	[dreg:$0x7] =	wrdreg s1;
	s1 =	sshrl.u32 @!p0 s2, $0x3  }
0x12: {  	s26 =	simm.s32 $0x5;
	[dreg:$0x8] =	wrdreg s1;
	s1 =	simm.s32 $0x3  }
.LBB2_1:
0x13: {  	s7 =	rddreg [dreg:$0x4]  }
0x14: {  	s6 =	simm.s32 @!p0 $0x1C0D;
	s11 =	rddreg [dreg:$0x8]  }
0x15: {  	[spmem:s11], [sflag:s6] =	dma.local @!p0 [hbm:s7], $0x648  }
0x16: {  	s6 =	simm.s32 @!p0 $0xD  }
0x17: {  	_ =	swait.ge @!p0 [sflag:s6], $0x648  }
0x18: {  	[sflag:s6] =	ssyncset.done @!p0 $0x0  }
0x19: {  	[sflag:s6] =	ssyncadd.s32 @!p0 $0xFFFFF9B8  }
0x1a: {  	[bflag:$0x0] =	sbarrier.arrive $0xFFFF  }
0x1b: {  	s12 =	rddreg [dreg:$0x5]  }
0x1c: {  	[tilespmem:s3], [sflag:$0xD] =	stream.linear.gather [hbm4b:s12+s3], $0x6400, $0x38;
	[tilespmem:$0x1CB28] =	vst v63  }
0x1d: {  	_ =	swait.ge [sflag:s13], $0x6400  }
0x1e: {  	[sflag:s13] =	ssyncset.done $0x0  }
0x1f: {  	s23 =	simm.s32 $0x6400;
	s21 =	rddreg [dreg:$0x6];
	[sflag:s13] =	ssyncadd.s32 $0xFFFF9C00  }
0x20: {  	[tilespmem:s23], [sflag:$0xD] =	stream.linear.gather [hbm4b:s21+s3], $0x6400, $0x38;
	[tilespmem:$0x1CB28] =	vst v63  }
0x21: {  	_ =	swait.ge [sflag:s13], $0x6400  }
0x22: {  	[sflag:s13] =	ssyncset.done $0x0  }
0x23: {  	[sflag:s13] =	ssyncadd.s32 $0xFFFF9C00  }
0x24: {  	[tilespmem:s16], [sflag:$0x1] =	stream.indirect.gather [hbm4b:s4+s15], $0x40, s3, s15, $0xb8;
	[tilespmem:$0x1CB28] =	vst v63  }
0x25: {  	s24 =	simm.s32 $0x14800  }
0x26: {  	[tilespmem:s24], [sflag:$0x5] =	stream.indirect.gather [spmem:s2], $0x40, s23, s15, $0xb8;
	[tilespmem:$0x1CB28] =	vst v63  }
0x27: {  	_ = 	snop  }
0x28: {  	[tilespmem:s18], [sflag:$0x2] =	stream.indirect.gather [hbm4b:s4+s15], $0x40, s15, s15, $0xb8;
	[tilespmem:$0x1CB28] =	vst v63  }
0x29: {  	s11 =	simm.s32 $0x6480;
	s12 =	simm.s32 $0x16800  }
0x2a: {  	[tilespmem:s12], [sflag:$0x6] =	stream.indirect.gather [spmem:s2], $0x40, s11, s15, $0xb8;
	[tilespmem:$0x1CB28] =	vst v63  }
0x2b: {  	s21 =	simm.s32 $0x100  }
0x2c: {  	[tilespmem:s22], [sflag:$0x3] =	stream.indirect.gather [hbm4b:s4+s15], $0x40, s21, s15, $0xb8;
	[tilespmem:$0x1CB28] =	vst v63  }
0x2d: {  	s6 =	simm.s32 $0x0;
	s23 =	simm.s32 $0x6500;
	s24 =	simm.s32 $0x18800  }
0x2e: {  	[tilespmem:s24], [sflag:$0x7] =	stream.indirect.gather [spmem:s2], $0x40, s23, s15, $0xb8;
	[tilespmem:$0x1CB28] =	vst v63  }
.LBB2_2:
0x2f: {  	_ =	swait.ge [sflag:s25], $0x2000  }
0x30: {  	[sflag:s25] =	ssyncset.done $0x0  }
0x31: {  	[sflag:s25] =	ssyncadd.s32 $0xFFFFE000  }
0x32: {  	_ =	swait.ge [sflag:s26], $0x2000  }
0x33: {  	p1 =	seq.s32 s6, $0x0;
	[sflag:s26] =	ssyncset.done $0x0  }
0x34: {  	s11 =	simm.s32 @!p1 $0xC;
	[sflag:s26] =	ssyncadd.s32 $0xFFFFE000  }
0x35: {  	_ =	swait.ge @!p1 [sflag:s11], $0x2000  }
0x36: {  	s7 =	sshllo.u32 s6, $0x2;
	[sflag:s11] =	ssyncset.done @!p1 $0x0  }
0x37: {  	s24 =	sshll.u32 s7, $0x7;
	[sflag:s11] =	ssyncadd.s32 @!p1 $0xFFFFE000  }
0x38: {  	[tilespmem:s28], [sflag:$0x4] =	stream.indirect.gather [hbm4b:s4+s15], $0x40, s24, s15, $0xb8;
	[tilespmem:$0x1CB28] =	vst v63  }
0x39: {  	s11 =	sadd.s32 $0x6400, s24  }
0x3a: {  	[tilespmem:s29], [sflag:$0x8] =	stream.indirect.gather [spmem:s2], $0x40, s11, s15, $0xb8;
	[tilespmem:$0x1CB28] =	vst v63  }
0x3b: {  	s11 =	simm.s32 $0xC880  }
0x3c: {  	s12 =	simm.s32 $0x14880;
	v0 =	vld [tilespmem:s11+$0x40]  }
0x3d: {  	v1 =	vld [tilespmem:s12+$0x40]  }
0x3e: {  	v2 =	vld [tilespmem:s11+$0xFFFFFFC0]  }
0x3f: {  	v3 =	vld [tilespmem:s12+$0xFFFFFFC0]  }
0x40: {  	v4 =	vld [tilespmem:s11+$0x0]  }
0x41: {  	v5 =	vld [tilespmem:s12+$0x0]  }
0x42: {  	v6 =	vld [tilespmem:s11+$0xFFFFFF80];
	v0 =	vadd.f32 v1, v0  }
0x43: {  	v1 =	vld [tilespmem:s12+$0xFFFFFF80]  }
0x44: {  	[tilespmem:s11+$0x40] =	vst v0;
	v0 =	vld [tilespmem:s11+$0x50]  }
0x45: {  	v2 =	vadd.f32 v3, v2;
	v3 =	vld [tilespmem:s12+$0x50]  }
0x46: {  	v7 =	vld [tilespmem:s11+$0xFFFFFF90]  }
0x47: {  	[tilespmem:s11+$0xFFFFFFC0] =	vst v2;
	v2 =	vadd.f32 v5, v4;
	v4 =	vld [tilespmem:s11+$0xFFFFFFD0]  }
0x48: {  	v5 =	vld [tilespmem:s12+$0xFFFFFFD0];
	v1 =	vadd.f32 v1, v6  }
0x49: {  	[tilespmem:s11+$0x0] =	vst v2;
	v2 =	vld [tilespmem:s11+$0x10]  }
0x4a: {  	v6 =	vld [tilespmem:s12+$0x10];
	[tilespmem:s11+$0xFFFFFF80] =	vst v1;
	v0 =	vadd.f32 v3, v0  }
0x4b: {  	v1 =	vld [tilespmem:s12+$0xFFFFFF90]  }
0x4c: {  	[tilespmem:s11+$0x50] =	vst v0;
	v0 =	vld [tilespmem:s11+$0x60]  }
0x4d: {  	v3 =	vadd.f32 v5, v4;
	v4 =	vld [tilespmem:s12+$0x60]  }
0x4e: {  	v5 =	vld [tilespmem:s11+$0xFFFFFFA0]  }
0x4f: {  	[tilespmem:s11+$0xFFFFFFD0] =	vst v3;
	v2 =	vadd.f32 v6, v2;
	v3 =	vld [tilespmem:s11+$0xFFFFFFE0]  }
0x50: {  	v6 =	vld [tilespmem:s12+$0xFFFFFFE0];
	v1 =	vadd.f32 v1, v7  }
0x51: {  	[tilespmem:s11+$0x10] =	vst v2;
	v2 =	vld [tilespmem:s11+$0x20]  }
0x52: {  	v7 =	vld [tilespmem:s12+$0x20];
	[tilespmem:s11+$0xFFFFFF90] =	vst v1;
	v0 =	vadd.f32 v4, v0  }
0x53: {  	v4 =	vld [tilespmem:s12+$0xFFFFFFA0]  }
0x54: {  	v8 =	vld [tilespmem:s11+$0x70];
	[tilespmem:s11+$0x60] =	vst v0  }
0x55: {  	v1 =	vadd.f32 v6, v3;
	v6 =	vld [tilespmem:s12+$0x70]  }
0x56: {  	v0 =	vld [tilespmem:s11+$0xFFFFFFB0]  }
0x57: {  	[tilespmem:s11+$0xFFFFFFE0] =	vst v1;
	v2 =	vadd.f32 v7, v2;
	v1 =	vld [tilespmem:s11+$0xFFFFFFF0]  }
0x58: {  	v3 =	vld [tilespmem:s12+$0xFFFFFFF0];
	v4 =	vadd.f32 v4, v5  }
0x59: {  	[tilespmem:s11+$0x20] =	vst v2;
	v2 =	vld [tilespmem:s11+$0x30]  }
0x5a: {  	[tilespmem:s11+$0xFFFFFFA0] =	vst v4;
	v4 =	vld [tilespmem:s12+$0x30];
	v6 =	vadd.f32 v6, v8  }
0x5b: {  	s21 =	simm.s32 $0x0;
	s23 =	simm.s32 $0xC980;
	v5 =	vld [tilespmem:s12+$0xFFFFFFB0]  }
.LBB2_3:
0x5c: {  	v7 =	vld [tilespmem:s23+$0x40];
	[tilespmem:s11+$0x70] =	vst v6;
	s12 =	sadd.s32 $0x100, s12  }
0x5d: {  	s21 =	sadd.s32 $0x4, s21;
	v6 =	vld [tilespmem:s12+$0x40];
	v1 =	vadd.f32 v3, v1  }
0x5e: {  	p1 =	slt.u32 s21, $0x7C;
	v3 =	vld [tilespmem:s12+$0xFFFFFF80]  }
0x5f: {  	v8 =	vld [tilespmem:s23+$0xFFFFFFC0];
	[tilespmem:s11+$0xFFFFFFF0] =	vst v1;
	v1 =	vadd.f32 v4, v2  }
0x60: {  	v2 =	vld [tilespmem:s12+$0xFFFFFFC0];
	v0 =	vadd.f32 v5, v0  }
0x61: {  	v4 =	vld [tilespmem:s23+$0x0];
	[tilespmem:s11+$0x30] =	vst v1  }
0x62: {  	v1 =	vld [tilespmem:s12+$0x0];
	v5 =	vadd.f32 v6, v7;
	[tilespmem:s11+$0xFFFFFFB0] =	vst v0;
	s11 =	smov.u32 s23  }
0x63: {  	v0 =	vld [tilespmem:s23+$0xFFFFFF80]  }
0x64: {  	[tilespmem:s23+$0x40] =	vst v5;
	v5 =	vld [tilespmem:s23+$0x50]  }
0x65: {  	v2 =	vadd.f32 v2, v8;
	v6 =	vld [tilespmem:s12+$0x50]  }
0x66: {  	v7 =	vld [tilespmem:s23+$0xFFFFFF90]  }
0x67: {  	[tilespmem:s23+$0xFFFFFFC0] =	vst v2;
	v2 =	vld [tilespmem:s23+$0xFFFFFFD0];
	v1 =	vadd.f32 v1, v4  }
0x68: {  	v0 =	vadd.f32 v3, v0;
	v3 =	vld [tilespmem:s12+$0xFFFFFFD0]  }
0x69: {  	[tilespmem:s23+$0x0] =	vst v1;
	v1 =	vld [tilespmem:s23+$0x10]  }
0x6a: {  	[tilespmem:s23+$0xFFFFFF80] =	vst v0;
	v0 =	vld [tilespmem:s12+$0x10];
	v4 =	vadd.f32 v6, v5  }
0x6b: {  	v5 =	vld [tilespmem:s12+$0xFFFFFF90]  }
0x6c: {  	[tilespmem:s23+$0x50] =	vst v4;
	v4 =	vld [tilespmem:s23+$0x60]  }
0x6d: {  	v2 =	vadd.f32 v3, v2;
	v3 =	vld [tilespmem:s12+$0x60]  }
0x6e: {  	v6 =	vld [tilespmem:s23+$0xFFFFFFA0]  }
0x6f: {  	[tilespmem:s23+$0xFFFFFFD0] =	vst v2;
	v2 =	vld [tilespmem:s23+$0xFFFFFFE0];
	v0 =	vadd.f32 v0, v1  }
0x70: {  	v1 =	vadd.f32 v5, v7;
	v5 =	vld [tilespmem:s12+$0xFFFFFFE0]  }
0x71: {  	[tilespmem:s23+$0x10] =	vst v0;
	v7 =	vld [tilespmem:s23+$0x20]  }
0x72: {  	[tilespmem:s23+$0xFFFFFF90] =	vst v1;
	v8 =	vld [tilespmem:s12+$0x20];
	v0 =	vadd.f32 v3, v4  }
0x73: {  	v3 =	vld [tilespmem:s12+$0xFFFFFFA0]  }
0x74: {  	[tilespmem:s23+$0x60] =	vst v0;
	v9 =	vld [tilespmem:s23+$0x70]  }
0x75: {  	v1 =	vadd.f32 v5, v2;
	v5 =	vld [tilespmem:s12+$0x70]  }
0x76: {  	v0 =	vld [tilespmem:s23+$0xFFFFFFB0]  }
.Ltmp0:
0x77: {  	[tilespmem:s23+$0xFFFFFFE0] =	vst v1;
	v1 =	vld [tilespmem:s23+$0xFFFFFFF0];
	v2 =	vadd.f32 v8, v7;
	(pc) =	sbr.rel @p1 .LBB2_3-.Ltmp0, $4  }
0x78: {  	v4 =	vadd.f32 v3, v6;
	v3 =	vld [tilespmem:s12+$0xFFFFFFF0]  }
0x79: {  	[tilespmem:s23+$0x20] =	vst v2;
	v2 =	vld [tilespmem:s23+$0x30]  }
0x7a: {  	[tilespmem:s23+$0xFFFFFFA0] =	vst v4;
	v4 =	vld [tilespmem:s12+$0x30];
	v6 =	vadd.f32 v5, v9  }
0x7b: {  	s23 =	sadd.s32 $0x100, s23;
	v5 =	vld [tilespmem:s12+$0xFFFFFFB0]  }
0x7c: {  	_ =	sdelay $0x1  }
0x7d: {  	v1 =	vadd.f32 v3, v1  }
0x7e: {  	[tilespmem:s11+$0x70] =	vst v6;
	s12 =	sshll.u32 s6, $0xF;
	v2 =	vadd.f32 v4, v2  }
0x7f: {  	s12 =	sadd.s32 s8, s12;
	[tilespmem:s11+$0xFFFFFFF0] =	vst v1;
	v0 =	vadd.f32 v5, v0  }
0x80: {  	s12 =	sshrl.u32 s12, $0x3;
	[tilespmem:s11+$0x30] =	vst v2  }
0x81: {  	s24 =	sadd.s32 s0, s12;
	[tilespmem:s11+$0xFFFFFFB0] =	vst v0  }
0x82: {  	[hbm4b:s24+s3] =	stream.linear.scatter [tilespmem:s16], [sflag:$0x9], $0x2000, $0x38;
	[tilespmem:$0x1CB28] =	vst v63  }
0x83: {  	_ =	swait.ge [sflag:s30], $0x2000  }
0x84: {  	[sflag:s30] =	ssyncset.done $0x0  }
0x85: {  	[sflag:s30] =	ssyncadd.s32 $0xFFFFE000  }
0x86: {  	_ =	swait.ge [sflag:s31], $0x2000  }
0x87: {  	p1 =	seq.s32 s6, $0x31;
	[sflag:s31] =	ssyncset.done $0x0  }
0x88: {  	s11 =	simm.s32 @!p1 $0x9;
	[sflag:s31] =	ssyncadd.s32 $0xFFFFE000  }
0x89: {  	_ =	swait.ge @!p1 [sflag:s11], $0x2000  }
0x8a: {  	[sflag:s11] =	ssyncset.done @!p1 $0x0  }
0x8b: {  	[sflag:s11] =	ssyncadd.s32 @!p1 $0xFFFFE000;
	s11 =	sshll.u32 @!p1 s6, $0x9  }
0x8c: {  	s21 =	simm.s32 @!p1 $0x80;
	s23 =	simm.s32 @!p1 $0xC800;
	s12 =	sadd.s32 @!p1 $0x200, s11  }
0x8d: {  	[tilespmem:s23], [sflag:$0x1] =	stream.indirect.gather @!p1 [hbm4b:s4+s21], $0x40, s12, s21, $0xb8;
	[tilespmem:$0x1CB28] =	vst v63  }
0x8e: {  	s11 =	sadd.s32 @!p1 $0x6600, s11;
	s12 =	simm.s32 @!p1 $0x14800  }
0x8f: {  	[tilespmem:s12], [sflag:$0x5] =	stream.indirect.gather @!p1 [spmem:s2], $0x40, s11, s21, $0xb8;
	[tilespmem:$0x1CB28] =	vst v63  }
0x90: {  	s12 =	simm.s32 $0xE880  }
0x91: {  	s11 =	simm.s32 $0x16880;
	v0 =	vld [tilespmem:s12+$0x40]  }
0x92: {  	v1 =	vld [tilespmem:s11+$0x40]  }
0x93: {  	v2 =	vld [tilespmem:s12+$0xFFFFFFC0]  }
0x94: {  	v3 =	vld [tilespmem:s11+$0xFFFFFFC0]  }
0x95: {  	v4 =	vld [tilespmem:s12+$0x0]  }
0x96: {  	v5 =	vld [tilespmem:s11+$0x0]  }
0x97: {  	v6 =	vld [tilespmem:s12+$0xFFFFFF80];
	v0 =	vadd.f32 v1, v0  }
0x98: {  	v1 =	vld [tilespmem:s11+$0xFFFFFF80]  }
0x99: {  	[tilespmem:s12+$0x40] =	vst v0;
	v0 =	vld [tilespmem:s12+$0x50]  }
0x9a: {  	v2 =	vadd.f32 v3, v2;
	v3 =	vld [tilespmem:s11+$0x50]  }
0x9b: {  	v7 =	vld [tilespmem:s12+$0xFFFFFF90]  }
0x9c: {  	[tilespmem:s12+$0xFFFFFFC0] =	vst v2;
	v2 =	vadd.f32 v5, v4;
	v4 =	vld [tilespmem:s12+$0xFFFFFFD0]  }
0x9d: {  	v5 =	vld [tilespmem:s11+$0xFFFFFFD0];
	v1 =	vadd.f32 v1, v6  }
0x9e: {  	[tilespmem:s12+$0x0] =	vst v2;
	v2 =	vld [tilespmem:s12+$0x10]  }
0x9f: {  	v6 =	vld [tilespmem:s11+$0x10];
	[tilespmem:s12+$0xFFFFFF80] =	vst v1;
	v0 =	vadd.f32 v3, v0  }
0xa0: {  	v1 =	vld [tilespmem:s11+$0xFFFFFF90]  }
0xa1: {  	[tilespmem:s12+$0x50] =	vst v0;
	v0 =	vld [tilespmem:s12+$0x60]  }
0xa2: {  	v3 =	vadd.f32 v5, v4;
	v4 =	vld [tilespmem:s11+$0x60]  }
0xa3: {  	v5 =	vld [tilespmem:s12+$0xFFFFFFA0]  }
0xa4: {  	[tilespmem:s12+$0xFFFFFFD0] =	vst v3;
	v2 =	vadd.f32 v6, v2;
	v3 =	vld [tilespmem:s12+$0xFFFFFFE0]  }
0xa5: {  	v6 =	vld [tilespmem:s11+$0xFFFFFFE0];
	v1 =	vadd.f32 v1, v7  }
0xa6: {  	[tilespmem:s12+$0x10] =	vst v2;
	v2 =	vld [tilespmem:s12+$0x20]  }
0xa7: {  	v7 =	vld [tilespmem:s11+$0x20];
	[tilespmem:s12+$0xFFFFFF90] =	vst v1;
	v0 =	vadd.f32 v4, v0  }
0xa8: {  	v4 =	vld [tilespmem:s11+$0xFFFFFFA0]  }
0xa9: {  	v8 =	vld [tilespmem:s12+$0x70];
	[tilespmem:s12+$0x60] =	vst v0  }
0xaa: {  	v1 =	vadd.f32 v6, v3;
	v6 =	vld [tilespmem:s11+$0x70]  }
0xab: {  	v0 =	vld [tilespmem:s12+$0xFFFFFFB0]  }
0xac: {  	[tilespmem:s12+$0xFFFFFFE0] =	vst v1;
	v2 =	vadd.f32 v7, v2;
	v1 =	vld [tilespmem:s12+$0xFFFFFFF0]  }
0xad: {  	v3 =	vld [tilespmem:s11+$0xFFFFFFF0];
	v4 =	vadd.f32 v4, v5  }
0xae: {  	[tilespmem:s12+$0x20] =	vst v2;
	v2 =	vld [tilespmem:s12+$0x30]  }
0xaf: {  	[tilespmem:s12+$0xFFFFFFA0] =	vst v4;
	v4 =	vld [tilespmem:s11+$0x30];
	v6 =	vadd.f32 v6, v8  }
0xb0: {  	s23 =	simm.s32 $0xE980;
	s21 =	simm.s32 $0x0;
	v5 =	vld [tilespmem:s11+$0xFFFFFFB0]  }
.LBB2_5:
0xb1: {  	v7 =	vld [tilespmem:s23+$0x40];
	[tilespmem:s12+$0x70] =	vst v6;
	s11 =	sadd.s32 $0x100, s11  }
0xb2: {  	s21 =	sadd.s32 $0x4, s21;
	v6 =	vld [tilespmem:s11+$0x40];
	v1 =	vadd.f32 v3, v1  }
0xb3: {  	p2 =	slt.u32 s21, $0x7C;
	v3 =	vld [tilespmem:s11+$0xFFFFFF80]  }
0xb4: {  	v8 =	vld [tilespmem:s23+$0xFFFFFFC0];
	[tilespmem:s12+$0xFFFFFFF0] =	vst v1;
	v1 =	vadd.f32 v4, v2  }
0xb5: {  	v2 =	vld [tilespmem:s11+$0xFFFFFFC0];
	v0 =	vadd.f32 v5, v0  }
0xb6: {  	v4 =	vld [tilespmem:s23+$0x0];
	[tilespmem:s12+$0x30] =	vst v1  }
0xb7: {  	v1 =	vld [tilespmem:s11+$0x0];
	v5 =	vadd.f32 v6, v7;
	[tilespmem:s12+$0xFFFFFFB0] =	vst v0;
	s12 =	smov.u32 s23  }
0xb8: {  	v0 =	vld [tilespmem:s23+$0xFFFFFF80]  }
0xb9: {  	[tilespmem:s23+$0x40] =	vst v5;
	v5 =	vld [tilespmem:s23+$0x50]  }
0xba: {  	v2 =	vadd.f32 v2, v8;
	v6 =	vld [tilespmem:s11+$0x50]  }
0xbb: {  	v7 =	vld [tilespmem:s23+$0xFFFFFF90]  }
0xbc: {  	[tilespmem:s23+$0xFFFFFFC0] =	vst v2;
	v2 =	vld [tilespmem:s23+$0xFFFFFFD0];
	v1 =	vadd.f32 v1, v4  }
0xbd: {  	v0 =	vadd.f32 v3, v0;
	v3 =	vld [tilespmem:s11+$0xFFFFFFD0]  }
0xbe: {  	[tilespmem:s23+$0x0] =	vst v1;
	v1 =	vld [tilespmem:s23+$0x10]  }
0xbf: {  	[tilespmem:s23+$0xFFFFFF80] =	vst v0;
	v0 =	vld [tilespmem:s11+$0x10];
	v4 =	vadd.f32 v6, v5  }
0xc0: {  	v5 =	vld [tilespmem:s11+$0xFFFFFF90]  }
0xc1: {  	[tilespmem:s23+$0x50] =	vst v4;
	v4 =	vld [tilespmem:s23+$0x60]  }
0xc2: {  	v2 =	vadd.f32 v3, v2;
	v3 =	vld [tilespmem:s11+$0x60]  }
0xc3: {  	v6 =	vld [tilespmem:s23+$0xFFFFFFA0]  }
0xc4: {  	[tilespmem:s23+$0xFFFFFFD0] =	vst v2;
	v2 =	vld [tilespmem:s23+$0xFFFFFFE0];
	v0 =	vadd.f32 v0, v1  }
0xc5: {  	v1 =	vadd.f32 v5, v7;
	v5 =	vld [tilespmem:s11+$0xFFFFFFE0]  }
0xc6: {  	[tilespmem:s23+$0x10] =	vst v0;
	v7 =	vld [tilespmem:s23+$0x20]  }
0xc7: {  	[tilespmem:s23+$0xFFFFFF90] =	vst v1;
	v8 =	vld [tilespmem:s11+$0x20];
	v0 =	vadd.f32 v3, v4  }
0xc8: {  	v3 =	vld [tilespmem:s11+$0xFFFFFFA0]  }
0xc9: {  	[tilespmem:s23+$0x60] =	vst v0;
	v9 =	vld [tilespmem:s23+$0x70]  }
0xca: {  	v1 =	vadd.f32 v5, v2;
	v5 =	vld [tilespmem:s11+$0x70]  }
0xcb: {  	v0 =	vld [tilespmem:s23+$0xFFFFFFB0]  }
.Ltmp1:
0xcc: {  	[tilespmem:s23+$0xFFFFFFE0] =	vst v1;
	v1 =	vld [tilespmem:s23+$0xFFFFFFF0];
	v2 =	vadd.f32 v8, v7;
	(pc) =	sbr.rel @p2 .LBB2_5-.Ltmp1, $4  }
0xcd: {  	v4 =	vadd.f32 v3, v6;
	v3 =	vld [tilespmem:s11+$0xFFFFFFF0]  }
0xce: {  	[tilespmem:s23+$0x20] =	vst v2;
	v2 =	vld [tilespmem:s23+$0x30]  }
0xcf: {  	[tilespmem:s23+$0xFFFFFFA0] =	vst v4;
	v4 =	vld [tilespmem:s11+$0x30];
	v6 =	vadd.f32 v5, v9  }
0xd0: {  	s23 =	sadd.s32 $0x100, s23;
	v5 =	vld [tilespmem:s11+$0xFFFFFFB0]  }
0xd1: {  	_ =	sdelay $0x1  }
0xd2: {  	s11 =	sshll.u32 s6, $0x9;
	v1 =	vadd.f32 v3, v1  }
0xd3: {  	[tilespmem:s12+$0x70] =	vst v6;
	s21 =	sadd.s32 s11, s9;
	v2 =	vadd.f32 v4, v2  }
0xd4: {  	s21 =	sshll.u32 s21, $0x3;
	[tilespmem:s12+$0xFFFFFFF0] =	vst v1;
	v0 =	vadd.f32 v5, v0  }
0xd5: {  	s21 =	sand.u32 $0x1FFFF400, s21;
	[tilespmem:s12+$0x30] =	vst v2  }
0xd6: {  	s24 =	sadd.s32 s0, s21;
	[tilespmem:s12+$0xFFFFFFB0] =	vst v0  }
0xd7: {  	[hbm4b:s24+s3] =	stream.linear.scatter [tilespmem:s18], [sflag:$0xA], $0x2000, $0x38;
	[tilespmem:$0x1CB28] =	vst v63  }
0xd8: {  	_ =	swait.ge [sflag:s1], $0x2000  }
0xd9: {  	[sflag:s1] =	ssyncset.done $0x0  }
0xda: {  	[sflag:s1] =	ssyncadd.s32 $0xFFFFE000  }
0xdb: {  	_ =	swait.ge [sflag:s17], $0x2000  }
0xdc: {  	[sflag:s17] =	ssyncset.done $0x0  }
0xdd: {  	s12 =	simm.s32 @!p1 $0xA;
	[sflag:s17] =	ssyncadd.s32 $0xFFFFE000  }
0xde: {  	_ =	swait.ge @!p1 [sflag:s12], $0x2000  }
0xdf: {  	s23 =	simm.s32 @!p1 $0xE800;
	[sflag:s12] =	ssyncset.done @!p1 $0x0  }
0xe0: {  	s21 =	simm.s32 @!p1 $0x80;
	[sflag:s12] =	ssyncadd.s32 @!p1 $0xFFFFE000;
	s12 =	sadd.s32 @!p1 $0x280, s11  }
0xe1: {  	[tilespmem:s23], [sflag:$0x2] =	stream.indirect.gather @!p1 [hbm4b:s4+s21], $0x40, s12, s21, $0xb8;
	[tilespmem:$0x1CB28] =	vst v63  }
0xe2: {  	s12 =	sadd.s32 @!p1 $0x6680, s11;
	s23 =	simm.s32 @!p1 $0x16800  }
0xe3: {  	[tilespmem:s23], [sflag:$0x6] =	stream.indirect.gather @!p1 [spmem:s2], $0x40, s12, s21, $0xb8;
	[tilespmem:$0x1CB28] =	vst v63  }
0xe4: {  	s12 =	simm.s32 $0x10880  }
0xe5: {  	s21 =	simm.s32 $0x18880;
	v0 =	vld [tilespmem:s12+$0x40]  }
0xe6: {  	v1 =	vld [tilespmem:s21+$0x40]  }
0xe7: {  	v2 =	vld [tilespmem:s12+$0xFFFFFFC0]  }
0xe8: {  	v3 =	vld [tilespmem:s21+$0xFFFFFFC0]  }
0xe9: {  	v4 =	vld [tilespmem:s12+$0x0]  }
0xea: {  	v5 =	vld [tilespmem:s21+$0x0]  }
0xeb: {  	v6 =	vld [tilespmem:s12+$0xFFFFFF80];
	v0 =	vadd.f32 v1, v0  }
0xec: {  	v1 =	vld [tilespmem:s21+$0xFFFFFF80]  }
0xed: {  	[tilespmem:s12+$0x40] =	vst v0;
	v0 =	vld [tilespmem:s12+$0x50]  }
0xee: {  	v2 =	vadd.f32 v3, v2;
	v3 =	vld [tilespmem:s21+$0x50]  }
0xef: {  	v7 =	vld [tilespmem:s12+$0xFFFFFF90]  }
0xf0: {  	[tilespmem:s12+$0xFFFFFFC0] =	vst v2;
	v2 =	vadd.f32 v5, v4;
	v4 =	vld [tilespmem:s12+$0xFFFFFFD0]  }
0xf1: {  	v5 =	vld [tilespmem:s21+$0xFFFFFFD0];
	v1 =	vadd.f32 v1, v6  }
0xf2: {  	[tilespmem:s12+$0x0] =	vst v2;
	v2 =	vld [tilespmem:s12+$0x10]  }
0xf3: {  	v6 =	vld [tilespmem:s21+$0x10];
	[tilespmem:s12+$0xFFFFFF80] =	vst v1;
	v0 =	vadd.f32 v3, v0  }
0xf4: {  	v1 =	vld [tilespmem:s21+$0xFFFFFF90]  }
0xf5: {  	[tilespmem:s12+$0x50] =	vst v0;
	v0 =	vld [tilespmem:s12+$0x60]  }
0xf6: {  	v3 =	vadd.f32 v5, v4;
	v4 =	vld [tilespmem:s21+$0x60]  }
0xf7: {  	v5 =	vld [tilespmem:s12+$0xFFFFFFA0]  }
0xf8: {  	[tilespmem:s12+$0xFFFFFFD0] =	vst v3;
	v2 =	vadd.f32 v6, v2;
	v3 =	vld [tilespmem:s12+$0xFFFFFFE0]  }
0xf9: {  	v6 =	vld [tilespmem:s21+$0xFFFFFFE0];
	v1 =	vadd.f32 v1, v7  }
0xfa: {  	[tilespmem:s12+$0x10] =	vst v2;
	v2 =	vld [tilespmem:s12+$0x20]  }
0xfb: {  	v7 =	vld [tilespmem:s21+$0x20];
	[tilespmem:s12+$0xFFFFFF90] =	vst v1;
	v0 =	vadd.f32 v4, v0  }
0xfc: {  	v4 =	vld [tilespmem:s21+$0xFFFFFFA0]  }
0xfd: {  	v8 =	vld [tilespmem:s12+$0x70];
	[tilespmem:s12+$0x60] =	vst v0  }
0xfe: {  	v1 =	vadd.f32 v6, v3;
	v6 =	vld [tilespmem:s21+$0x70]  }
0xff: {  	v0 =	vld [tilespmem:s12+$0xFFFFFFB0]  }
0x100: {  	[tilespmem:s12+$0xFFFFFFE0] =	vst v1;
	v2 =	vadd.f32 v7, v2;
	v1 =	vld [tilespmem:s12+$0xFFFFFFF0]  }
0x101: {  	v3 =	vld [tilespmem:s21+$0xFFFFFFF0];
	v4 =	vadd.f32 v4, v5  }
0x102: {  	[tilespmem:s12+$0x20] =	vst v2;
	v2 =	vld [tilespmem:s12+$0x30]  }
0x103: {  	[tilespmem:s12+$0xFFFFFFA0] =	vst v4;
	v4 =	vld [tilespmem:s21+$0x30];
	v6 =	vadd.f32 v6, v8  }
0x104: {  	s24 =	simm.s32 $0x10980;
	s23 =	simm.s32 $0x0;
	v5 =	vld [tilespmem:s21+$0xFFFFFFB0]  }
.LBB2_7:
0x105: {  	v7 =	vld [tilespmem:s24+$0x40];
	[tilespmem:s12+$0x70] =	vst v6;
	s21 =	sadd.s32 $0x100, s21  }
0x106: {  	s23 =	sadd.s32 $0x4, s23;
	v6 =	vld [tilespmem:s21+$0x40];
	v1 =	vadd.f32 v3, v1  }
0x107: {  	p2 =	slt.u32 s23, $0x7C;
	v3 =	vld [tilespmem:s21+$0xFFFFFF80]  }
0x108: {  	v8 =	vld [tilespmem:s24+$0xFFFFFFC0];
	[tilespmem:s12+$0xFFFFFFF0] =	vst v1;
	v1 =	vadd.f32 v4, v2  }
0x109: {  	v2 =	vld [tilespmem:s21+$0xFFFFFFC0];
	v0 =	vadd.f32 v5, v0  }
0x10a: {  	v4 =	vld [tilespmem:s24+$0x0];
	[tilespmem:s12+$0x30] =	vst v1  }
0x10b: {  	v1 =	vld [tilespmem:s21+$0x0];
	v5 =	vadd.f32 v6, v7;
	[tilespmem:s12+$0xFFFFFFB0] =	vst v0;
	s12 =	smov.u32 s24  }
0x10c: {  	v0 =	vld [tilespmem:s24+$0xFFFFFF80]  }
0x10d: {  	[tilespmem:s24+$0x40] =	vst v5;
	v5 =	vld [tilespmem:s24+$0x50]  }
0x10e: {  	v2 =	vadd.f32 v2, v8;
	v6 =	vld [tilespmem:s21+$0x50]  }
0x10f: {  	v7 =	vld [tilespmem:s24+$0xFFFFFF90]  }
0x110: {  	[tilespmem:s24+$0xFFFFFFC0] =	vst v2;
	v2 =	vld [tilespmem:s24+$0xFFFFFFD0];
	v1 =	vadd.f32 v1, v4  }
0x111: {  	v0 =	vadd.f32 v3, v0;
	v3 =	vld [tilespmem:s21+$0xFFFFFFD0]  }
0x112: {  	[tilespmem:s24+$0x0] =	vst v1;
	v1 =	vld [tilespmem:s24+$0x10]  }
0x113: {  	[tilespmem:s24+$0xFFFFFF80] =	vst v0;
	v0 =	vld [tilespmem:s21+$0x10];
	v4 =	vadd.f32 v6, v5  }
0x114: {  	v5 =	vld [tilespmem:s21+$0xFFFFFF90]  }
0x115: {  	[tilespmem:s24+$0x50] =	vst v4;
	v4 =	vld [tilespmem:s24+$0x60]  }
0x116: {  	v2 =	vadd.f32 v3, v2;
	v3 =	vld [tilespmem:s21+$0x60]  }
0x117: {  	v6 =	vld [tilespmem:s24+$0xFFFFFFA0]  }
0x118: {  	[tilespmem:s24+$0xFFFFFFD0] =	vst v2;
	v2 =	vld [tilespmem:s24+$0xFFFFFFE0];
	v0 =	vadd.f32 v0, v1  }
0x119: {  	v1 =	vadd.f32 v5, v7;
	v5 =	vld [tilespmem:s21+$0xFFFFFFE0]  }
0x11a: {  	[tilespmem:s24+$0x10] =	vst v0;
	v7 =	vld [tilespmem:s24+$0x20]  }
0x11b: {  	[tilespmem:s24+$0xFFFFFF90] =	vst v1;
	v8 =	vld [tilespmem:s21+$0x20];
	v0 =	vadd.f32 v3, v4  }
0x11c: {  	v3 =	vld [tilespmem:s21+$0xFFFFFFA0]  }
0x11d: {  	[tilespmem:s24+$0x60] =	vst v0;
	v9 =	vld [tilespmem:s24+$0x70]  }
0x11e: {  	v1 =	vadd.f32 v5, v2;
	v5 =	vld [tilespmem:s21+$0x70]  }
0x11f: {  	v0 =	vld [tilespmem:s24+$0xFFFFFFB0]  }
.Ltmp2:
0x120: {  	[tilespmem:s24+$0xFFFFFFE0] =	vst v1;
	v1 =	vld [tilespmem:s24+$0xFFFFFFF0];
	v2 =	vadd.f32 v8, v7;
	(pc) =	sbr.rel @p2 .LBB2_7-.Ltmp2, $4  }
0x121: {  	v4 =	vadd.f32 v3, v6;
	v3 =	vld [tilespmem:s21+$0xFFFFFFF0]  }
0x122: {  	[tilespmem:s24+$0x20] =	vst v2;
	v2 =	vld [tilespmem:s24+$0x30]  }
0x123: {  	[tilespmem:s24+$0xFFFFFFA0] =	vst v4;
	v4 =	vld [tilespmem:s21+$0x30];
	v6 =	vadd.f32 v5, v9  }
0x124: {  	s24 =	sadd.s32 $0x100, s24;
	v5 =	vld [tilespmem:s21+$0xFFFFFFB0]  }
0x125: {  	_ =	sdelay $0x1  }
0x126: {  	v1 =	vadd.f32 v3, v1  }
0x127: {  	[tilespmem:s12+$0x70] =	vst v6;
	s21 =	sadd.s32 s11, s10;
	v2 =	vadd.f32 v4, v2  }
0x128: {  	s21 =	sshll.u32 s21, $0x3;
	[tilespmem:s12+$0xFFFFFFF0] =	vst v1;
	v0 =	vadd.f32 v5, v0  }
0x129: {  	s21 =	sand.u32 $0x1FFFF800, s21;
	[tilespmem:s12+$0x30] =	vst v2  }
0x12a: {  	s24 =	sadd.s32 s0, s21;
	[tilespmem:s12+$0xFFFFFFB0] =	vst v0  }
0x12b: {  	[hbm4b:s24+s3] =	stream.linear.scatter [tilespmem:s22], [sflag:$0xB], $0x2000, $0x38;
	[tilespmem:$0x1CB28] =	vst v63  }
0x12c: {  	_ =	swait.ge [sflag:s19], $0x2000  }
0x12d: {  	[sflag:s19] =	ssyncset.done $0x0  }
0x12e: {  	[sflag:s19] =	ssyncadd.s32 $0xFFFFE000  }
0x12f: {  	_ =	swait.ge [sflag:s20], $0x2000  }
0x130: {  	[sflag:s20] =	ssyncset.done $0x0  }
0x131: {  	s12 =	simm.s32 @!p1 $0xB;
	[sflag:s20] =	ssyncadd.s32 $0xFFFFE000  }
0x132: {  	_ =	swait.ge @!p1 [sflag:s12], $0x2000  }
0x133: {  	s23 =	simm.s32 @!p1 $0x10800;
	[sflag:s12] =	ssyncset.done @!p1 $0x0  }
0x134: {  	s21 =	simm.s32 @!p1 $0x80;
	[sflag:s12] =	ssyncadd.s32 @!p1 $0xFFFFE000;
	s12 =	sadd.s32 @!p1 $0x300, s11  }
0x135: {  	[tilespmem:s23], [sflag:$0x3] =	stream.indirect.gather @!p1 [hbm4b:s4+s21], $0x40, s12, s21, $0xb8;
	[tilespmem:$0x1CB28] =	vst v63  }
0x136: {  	s11 =	sadd.s32 @!p1 $0x6700, s11;
	s12 =	simm.s32 @!p1 $0x18800  }
0x137: {  	[tilespmem:s12], [sflag:$0x7] =	stream.indirect.gather @!p1 [spmem:s2], $0x40, s11, s21, $0xb8;
	[tilespmem:$0x1CB28] =	vst v63  }
0x138: {  	s11 =	simm.s32 $0x12880  }
0x139: {  	s12 =	simm.s32 $0x1A880;
	v0 =	vld [tilespmem:s11+$0x40]  }
0x13a: {  	v1 =	vld [tilespmem:s12+$0x40]  }
0x13b: {  	v2 =	vld [tilespmem:s11+$0xFFFFFFC0]  }
0x13c: {  	v3 =	vld [tilespmem:s12+$0xFFFFFFC0]  }
0x13d: {  	v4 =	vld [tilespmem:s11+$0x0]  }
0x13e: {  	v5 =	vld [tilespmem:s12+$0x0]  }
0x13f: {  	v6 =	vld [tilespmem:s11+$0xFFFFFF80];
	v0 =	vadd.f32 v1, v0  }
0x140: {  	v1 =	vld [tilespmem:s12+$0xFFFFFF80]  }
0x141: {  	[tilespmem:s11+$0x40] =	vst v0;
	v0 =	vld [tilespmem:s11+$0x50]  }
0x142: {  	v2 =	vadd.f32 v3, v2;
	v3 =	vld [tilespmem:s12+$0x50]  }
0x143: {  	v7 =	vld [tilespmem:s11+$0xFFFFFF90]  }
0x144: {  	[tilespmem:s11+$0xFFFFFFC0] =	vst v2;
	v2 =	vadd.f32 v5, v4;
	v4 =	vld [tilespmem:s11+$0xFFFFFFD0]  }
0x145: {  	v5 =	vld [tilespmem:s12+$0xFFFFFFD0];
	v1 =	vadd.f32 v1, v6  }
0x146: {  	[tilespmem:s11+$0x0] =	vst v2;
	v2 =	vld [tilespmem:s11+$0x10]  }
0x147: {  	v6 =	vld [tilespmem:s12+$0x10];
	[tilespmem:s11+$0xFFFFFF80] =	vst v1;
	v0 =	vadd.f32 v3, v0  }
0x148: {  	v1 =	vld [tilespmem:s12+$0xFFFFFF90]  }
0x149: {  	[tilespmem:s11+$0x50] =	vst v0;
	v0 =	vld [tilespmem:s11+$0x60]  }
0x14a: {  	v3 =	vadd.f32 v5, v4;
	v4 =	vld [tilespmem:s12+$0x60]  }
0x14b: {  	v5 =	vld [tilespmem:s11+$0xFFFFFFA0]  }
0x14c: {  	[tilespmem:s11+$0xFFFFFFD0] =	vst v3;
	v2 =	vadd.f32 v6, v2;
	v3 =	vld [tilespmem:s11+$0xFFFFFFE0]  }
0x14d: {  	v6 =	vld [tilespmem:s12+$0xFFFFFFE0];
	v1 =	vadd.f32 v1, v7  }
0x14e: {  	[tilespmem:s11+$0x10] =	vst v2;
	v2 =	vld [tilespmem:s11+$0x20]  }
0x14f: {  	v7 =	vld [tilespmem:s12+$0x20];
	[tilespmem:s11+$0xFFFFFF90] =	vst v1;
	v0 =	vadd.f32 v4, v0  }
0x150: {  	v4 =	vld [tilespmem:s12+$0xFFFFFFA0]  }
0x151: {  	v8 =	vld [tilespmem:s11+$0x70];
	[tilespmem:s11+$0x60] =	vst v0  }
0x152: {  	v1 =	vadd.f32 v6, v3;
	v6 =	vld [tilespmem:s12+$0x70]  }
0x153: {  	v0 =	vld [tilespmem:s11+$0xFFFFFFB0]  }
0x154: {  	[tilespmem:s11+$0xFFFFFFE0] =	vst v1;
	v2 =	vadd.f32 v7, v2;
	v1 =	vld [tilespmem:s11+$0xFFFFFFF0]  }
0x155: {  	v3 =	vld [tilespmem:s12+$0xFFFFFFF0];
	v4 =	vadd.f32 v4, v5  }
0x156: {  	[tilespmem:s11+$0x20] =	vst v2;
	v2 =	vld [tilespmem:s11+$0x30]  }
0x157: {  	[tilespmem:s11+$0xFFFFFFA0] =	vst v4;
	v4 =	vld [tilespmem:s12+$0x30];
	v6 =	vadd.f32 v6, v8  }
0x158: {  	s23 =	simm.s32 $0x12980;
	s21 =	simm.s32 $0x0;
	v5 =	vld [tilespmem:s12+$0xFFFFFFB0]  }
.LBB2_9:
0x159: {  	v7 =	vld [tilespmem:s23+$0x40];
	[tilespmem:s11+$0x70] =	vst v6;
	s12 =	sadd.s32 $0x100, s12  }
0x15a: {  	s21 =	sadd.s32 $0x4, s21;
	v6 =	vld [tilespmem:s12+$0x40];
	v1 =	vadd.f32 v3, v1  }
0x15b: {  	p1 =	slt.u32 s21, $0x7C;
	v3 =	vld [tilespmem:s12+$0xFFFFFF80]  }
0x15c: {  	v8 =	vld [tilespmem:s23+$0xFFFFFFC0];
	[tilespmem:s11+$0xFFFFFFF0] =	vst v1;
	v1 =	vadd.f32 v4, v2  }
0x15d: {  	v2 =	vld [tilespmem:s12+$0xFFFFFFC0];
	v0 =	vadd.f32 v5, v0  }
0x15e: {  	v4 =	vld [tilespmem:s23+$0x0];
	[tilespmem:s11+$0x30] =	vst v1  }
0x15f: {  	v1 =	vld [tilespmem:s12+$0x0];
	v5 =	vadd.f32 v6, v7;
	[tilespmem:s11+$0xFFFFFFB0] =	vst v0;
	s11 =	smov.u32 s23  }
0x160: {  	v0 =	vld [tilespmem:s23+$0xFFFFFF80]  }
0x161: {  	[tilespmem:s23+$0x40] =	vst v5;
	v5 =	vld [tilespmem:s23+$0x50]  }
0x162: {  	v2 =	vadd.f32 v2, v8;
	v6 =	vld [tilespmem:s12+$0x50]  }
0x163: {  	v7 =	vld [tilespmem:s23+$0xFFFFFF90]  }
0x164: {  	[tilespmem:s23+$0xFFFFFFC0] =	vst v2;
	v2 =	vld [tilespmem:s23+$0xFFFFFFD0];
	v1 =	vadd.f32 v1, v4  }
0x165: {  	v0 =	vadd.f32 v3, v0;
	v3 =	vld [tilespmem:s12+$0xFFFFFFD0]  }
0x166: {  	[tilespmem:s23+$0x0] =	vst v1;
	v1 =	vld [tilespmem:s23+$0x10]  }
0x167: {  	[tilespmem:s23+$0xFFFFFF80] =	vst v0;
	v0 =	vld [tilespmem:s12+$0x10];
	v4 =	vadd.f32 v6, v5  }
0x168: {  	v5 =	vld [tilespmem:s12+$0xFFFFFF90]  }
0x169: {  	[tilespmem:s23+$0x50] =	vst v4;
	v4 =	vld [tilespmem:s23+$0x60]  }
0x16a: {  	v2 =	vadd.f32 v3, v2;
	v3 =	vld [tilespmem:s12+$0x60]  }
0x16b: {  	v6 =	vld [tilespmem:s23+$0xFFFFFFA0]  }
0x16c: {  	[tilespmem:s23+$0xFFFFFFD0] =	vst v2;
	v2 =	vld [tilespmem:s23+$0xFFFFFFE0];
	v0 =	vadd.f32 v0, v1  }
0x16d: {  	v1 =	vadd.f32 v5, v7;
	v5 =	vld [tilespmem:s12+$0xFFFFFFE0]  }
0x16e: {  	[tilespmem:s23+$0x10] =	vst v0;
	v7 =	vld [tilespmem:s23+$0x20]  }
0x16f: {  	[tilespmem:s23+$0xFFFFFF90] =	vst v1;
	v8 =	vld [tilespmem:s12+$0x20];
	v0 =	vadd.f32 v3, v4  }
0x170: {  	v3 =	vld [tilespmem:s12+$0xFFFFFFA0]  }
0x171: {  	[tilespmem:s23+$0x60] =	vst v0;
	v9 =	vld [tilespmem:s23+$0x70]  }
0x172: {  	v1 =	vadd.f32 v5, v2;
	v5 =	vld [tilespmem:s12+$0x70]  }
0x173: {  	v0 =	vld [tilespmem:s23+$0xFFFFFFB0]  }
.Ltmp3:
0x174: {  	[tilespmem:s23+$0xFFFFFFE0] =	vst v1;
	v1 =	vld [tilespmem:s23+$0xFFFFFFF0];
	v2 =	vadd.f32 v8, v7;
	(pc) =	sbr.rel @p1 .LBB2_9-.Ltmp3, $4  }
0x175: {  	v4 =	vadd.f32 v3, v6;
	v3 =	vld [tilespmem:s12+$0xFFFFFFF0]  }
0x176: {  	[tilespmem:s23+$0x20] =	vst v2;
	v2 =	vld [tilespmem:s23+$0x30]  }
0x177: {  	[tilespmem:s23+$0xFFFFFFA0] =	vst v4;
	v4 =	vld [tilespmem:s12+$0x30];
	v6 =	vadd.f32 v5, v9  }
0x178: {  	s23 =	sadd.s32 $0x100, s23;
	v5 =	vld [tilespmem:s12+$0xFFFFFFB0]  }
0x179: {  	_ = 	snop  }
0x17a: {  	s6 =	sadd.s32 $0x1, s6  }
0x17b: {  	v1 =	vadd.f32 v3, v1;
	p1 =	sne.s32 s6, $0x32  }
.Ltmp4:
0x17c: {  	[tilespmem:s11+$0x70] =	vst v6;
	s7 =	sshll.u32 s7, $0xD;
	v2 =	vadd.f32 v4, v2;
	(pc) =	sbr.rel @p1 .LBB2_2-.Ltmp4, $4  }
0x17d: {  	s7 =	sadd.s32 s8, s7;
	[tilespmem:s11+$0xFFFFFFF0] =	vst v1;
	v0 =	vadd.f32 v5, v0  }
0x17e: {  	s7 =	sshrl.u32 s7, $0x3;
	[tilespmem:s11+$0x30] =	vst v2  }
0x17f: {  	s7 =	sadd.s32 s0, s7;
	[tilespmem:s11+$0xFFFFFFB0] =	vst v0  }
0x180: {  	[hbm4b:s7+s3] =	stream.linear.scatter [tilespmem:s28], [sflag:$0xC], $0x2000, $0x38;
	[tilespmem:$0x1CB28] =	vst v63  }
0x181: {  	s6 =	simm.s32 $0x9  }
0x182: {  	_ =	swait.ge [sflag:s6], $0x2000  }
0x183: {  	[sflag:s6] =	ssyncset.done $0x0  }
0x184: {  	s21 =	simm.s32 $0xA;
	[sflag:s6] =	ssyncadd.s32 $0xFFFFE000  }
0x185: {  	_ =	swait.ge [sflag:s21], $0x2000  }
0x186: {  	[sflag:s21] =	ssyncset.done $0x0  }
0x187: {  	s23 =	simm.s32 $0xB;
	[sflag:s21] =	ssyncadd.s32 $0xFFFFE000  }
0x188: {  	_ =	swait.ge [sflag:s23], $0x2000  }
0x189: {  	[sflag:s23] =	ssyncset.done $0x0  }
0x18a: {  	[sflag:s23] =	ssyncadd.s32 $0xFFFFE000  }
0x18b: {  	_ =	swait.ge [sflag:s14], $0x2000  }
0x18c: {  	s5 =	sadd.s32 $0x1, s5;
	s24 =	rddreg [dreg:$0x7]  }
0x18d: {  	p1 =	sne.s32 s5, s24  }
.Ltmp5:
0x18e: {  	_ = 	snop;
	(pc) =	sbr.rel @p1 .LBB2_1-.Ltmp5, $3  }
0x18f: {  	_ =	sdelay $0x1  }
0x190: {  	[sflag:s14] =	ssyncset.done $0x0  }
0x191: {  	[sflag:s14] =	ssyncadd.s32 $0xFFFFE000  }
0x192: {  	_ =	sfence.sel $0x180000  }
0x193: {  	[bflag:$0x0] =	sbarrier.arrive $0xFFFF  }
0x194: {  	_ =	strace $0x90000047  }
0x195: {  	[bflag:$0x2] =	sbarrier.arrive $0xFFFF  }
0x196: {  	s0 =	rddreg [dreg:$0x3]  }
0x197: {  	s0 =	sadd.s32 @!p0 $0x100000, s0  }
0x198: {  	[sflag:s0] =	ssyncadd.tile.s32 @!p0 $0x1;
	_ =	shalt  }
.Lfunc_end2:
_tile_overlayer_lowered:
.L_overlay_start_2:
0x199: {  	(tag) =	ssettag $0x2  }
0x19a: {  	s0 =	rddreg [dreg:$0x0];
	s2 =	stileid.u32  }
0x19b: {  	s1 =	rddreg [dreg:$0x1];
	p0 =	sne.s32 s2, $0x0  }
0x19c: {  	s3 =	rddreg [dreg:$0x2];
	[bflag:$0x3] =	sbarrier.arrive $0xFFFF;
	s2 =	simm.s32 @!p0 $0x1C0D  }
0x19d: {  	[timem:s3], [sflag:s2] =	dma.local @!p0 [hbm:s0], s1  }
0x19e: {  	s0 =	simm.s32 @!p0 $0xD  }
0x19f: {  	_ =	swait.ge @!p0 [sflag:s0], s1  }
0x1a0: {  	s1 =	ssub.s32 @!p0 $0x0, s1;
	[sflag:s0] =	ssyncset.done @!p0 $0x0  }
0x1a1: {  	[sflag:s0] =	ssyncadd.s32 @!p0 s1  }
0x1a2: {  	[bflag:$0x3] =	sbarrier.arrive $0xFFFF  }
0x1a3: {  	_ =	shalt  }

// kernel: sparse-core-data-format-call.cloned.1.call-start
scs
called_computation_lowered:
.L_overlay_start_0:
0x0: {  	s2 =	sld [smem:$0x3FD9]  }
0x1: {  	s3 =	sld [smem:$0x3FFE];
	_ =	sdelay $0x1  }
0x2: {  	s1 =	srdreg.scid  }
0x3: {  	s0 =	sand.u32 $0x1, s1  }
0x4: {  	s18 =	sshll.u32 s0, $0xA;
	s2 =	sadd.s32 s3, s2  }
0x5: {  	s2 =	sadd.s32 s2, s18  }
0x6: {  	[smem:$0x3FC4] =	sst s2  }
0x7: {  	_ = 	snop  }
0x8: {  	s2 =	sld [smem:$0x3FD0];
	(tm) =	ssettm $0x1  }
0x9: {  	s19 =	sld [smem:$0x3FFB];
	_ =	sdelay $0x3  }
0xa: {  	_ =	strace s19  }
0xb: {  	s3 =	sld [smem:$0x3FFC];
	_ =	sdelay $0x3  }
0xc: {  	_ =	strace s3  }
0xd: {  	s3 =	sld [smem:$0x3FFD];
	_ =	sdelay $0x3  }
0xe: {  	_ =	strace s3  }
0xf: {  	_ =	strace $0x8FFFFFFF  }
0x10: {  	s20 =	sld [smem:$0x3FDB];
	_ =	sdelay $0x1  }
0x11: {  	s4 =	simm.s32 $_scs_section_size  }
0x12: {  	s5 =	simm.s32 $_size__tile_overlayer_lowered;
	s6 =	simm.s32 $_tile_overlayer_lowered  }
0x13: {  	s23 =	simm.s32 $0x1BFF;
	s22 =	sshll.u32 s6, $0x1;
	s3 =	sadd.s32 s4, s20  }
0x14: {  	s7 =	simm.s32 $0x0;
	s21 =	sshll.u32 s5, $0x1;
	s5 =	sadd.s32 s22, s3  }
0x15: {  	[timem:s7], [sflag:s23] =	dma.local [hbm:s5], s21  }
0x16: {  	_ =	swait.ge [sflag:s23], s21  }
0x17: {  	s4 =	ssub.s32 $0x0, s21;
	[sflag:s23] =	ssyncset.done $0x0  }
0x18: {  	[sflag:s23] =	ssyncadd.s32 s4;
	_ =	sdelay $0x1  }
0x19: {  	s24 =	simm.s32 $0x1B8B  }
0x1a: {  	_ =	swait.ge [sflag:s24], $0x1  }
0x1b: {  	[sflag:s24] =	ssyncset.done $0x0  }
0x1c: {  	s26 =	simm.s32 $0x1B8E;
	s25 =	sld [smem:$0x3FFE];
	[sflag:s24] =	ssyncadd.s32 $0xFFFFFFFF  }
0x1d: {  	s27 =	simm.s32 $execute0_lowered;
	[smem:$0x3FD2] =	sst s26  }
0x1e: {  	s5 =	sshll.u32 s27, $0x1;
	_ =	strace $0x80000049;
	[dreg:$0x1] =	wrdreg $0xFFFFFFFF  }
0x1f: {  	s28 =	simm.s32 $_size_execute0_lowered;
	s3 =	sadd.s32 s3, s5;
	[dreg:$0x0] =	wrdreg $0x0  }
0x20: {  	s5 =	sshll.u32 s28, $0x1;
	[dreg:$0x2] =	wrdreg s3  }
0x21: {  	[dreg:$0x3] =	wrdreg s5  }
0x22: {  	[dreg:$0x4] =	wrdreg $0xC0  }
0x23: {  	_ =	task [dreg:s7], $0x5FFFF  }
0x24: {  	[dreg:$0x1] =	wrdreg $0xFFFFFFFF  }
0x25: {  	[dreg:$0x0] =	wrdreg $0x60  }
0x26: {  	[dreg:$0x2] =	wrdreg s25  }
0x27: {  	[dreg:$0x3] =	wrdreg s2  }
0x28: {  	[dreg:$0x4] =	wrdreg $0x9  }
0x29: {  	_ =	task.clear_ibuf [dreg:s7], $0x5FFFF;
	_ =	strace $0x90000049  }
0x2a: {  	s29 =	simm.s32 $0x9;
	_ =	strace $0x8000004B  }
0x2b: {  	_ =	swait.ge [sflag:s29], $0x1  }
0x2c: {  	[sflag:s29] =	ssyncadd.s32 $0xFFFFFFFF  }
0x2d: {  	_ =	strace $0x9000004B  }
0x2e: {  	_ =	sfence  }
0x2f: {  	s30 =	sld [smem:$0x0];
	_ =	sdelay $0x2  }
0x30: {  	s31 =	sshll.u32 s1, $0xD;
	s1 =	sshrl.u32 s1, $0x2  }
0x31: {  	s3 =	sand.u32 $0x4000, s31;
	s1 =	sadd.s32 s1, s30  }
0x32: {  	s0 =	sor.u32 s3, s0;
	s1 =	sshll.u32 s1, $0x11  }
0x33: {  	s0 =	sor.u32 s1, s0  }
0x34: {  	s0 =	sadd.s32 $0x8F2B, s0  }
0x35: {  	[sflag:s0] =	ssyncadd.remote.s32 $0x1  }
0x36: {  	_ =	sfence.sel $0xFFFF  }
0x37: {  	[dreg:$0x0] =	wrdreg $0xFFFFFFFF;
	(pc) =	sbr.abs _section_cstart, $3  }
0x38: {  	[dreg:$0x1] =	wrdreg $0xFFFFFFFF  }
0x39: {  	_ =	task.clear_ibuf [dreg:s7], $0x2FFFF;
	_ =	strace $0x9FFFFFFF  }
0x3a: {  	(tm) =	ssettm $0x7FFFFFFF  }
0x3b: {  	_ =	shalt  }
tec
execute0_lowered:
.L_overlay_start_1:
0x0: {  	(tag) =	ssettag $0x1  }
0x1: {  	s0 =	srdreg.scid  }
0x2: {  	s1 =	sshll.u32 s0, $0x4  }
0x3: {  	s0 =	stileid.u32;
	s1 =	sand.u32 $0x10, s1  }
0x4: {  	s1 =	sor.u32 s0, s1  }
0x5: {  	s6 =	rddreg [dreg:$0x0];
	s4 =	simm.s32 $0x1;
	s2 =	sshll.u32 s1, $0x7  }
0x6: {  	s7 =	simm.s32 $0x2;
	s12 =	simm.s32 $0x0;
	s1 =	ssub.s32 $0x1000, s2  }
0x7: {  	s8 =	simm.s32 $0x8000;
	s13 =	simm.s32 $0x0;
	s3 =	sand.u32 $0xF80, s1  }
0x8: {  	s9 =	simm.s32 $0x0;
	s5 =	sshrl.u32 s1, $0xC;
	p0 =	sne.s32 s3, $0x0  }
.Ltmp0:
0x9: {  	s1 =	rddreg [dreg:$0x2];
	s4 =	simm.s32 @!p0 $0x0;
	(pc) =	sbr.rel .LBB1_1-.Ltmp0, $4  }
0xa: {  	s11 =	simm.s32 $0x0;
	s3 =	rddreg [dreg:$0x1];
	s5 =	sadd.s32 s4, s5  }
0xb: {  	_ =	strace $0x8000004A;
	s4 =	simm.s32 $0x1;
	s5 =	smul.u32 $0xC8, s5  }
0xc: {  	s6 =	sadd.s32 $0xE00, s6;
	s10 =	smov.u32 s2;
	[sflag:s4] =	ssyncpa.u1 $0x0  }
0xd: {  	p0 =	por $0x0, $0x0;
	[sflag:s7] =	ssyncpa.u1 $0x0;
	s7 =	sor.u32 $0x1, s5  }
.LBB1_4:
0xe: {  	s16 =	sshll.u32 s13, $0x3;
	s17 =	sand.u32 $0x78, s13  }
0xf: {  	s30 =	sand.u32 $0x7E00, s13;
	s12 =	sshll.u32 s12, $0xF;
	s16 =	sand.u32 $0xC00, s16  }
0x10: {  	[tilespmem:s15+$0x810 ss:$0x81] =	vst.msk $0xffff, v2;
	s31 =	sand.u32 $0x7, s13;
	s16 =	sor.u32 s17, s16;
	s17 =	sadd.s32 s3, s30  }
0x11: {  	[tilespmem:s15+$0x1020 ss:$0x81] =	vst.msk $0xffff, v0;
	s13 =	sshll.u32 s31, $0x12;
	s12 =	sadd.s32 s12, s17;
	s16 =	sshrl.u32 s16, $0x3  }
0x12: {  	[tilespmem:s15+$0x0 ss:$0x81] =	vst.msk $0xffff, v1;
	s13 =	sor.u32 $0x400, s13;
	s12 =	sadd.s32 s16, s12  }
0x13: {  	[hbm4b:s12+s13] =	stream.strided.scatter [tilespmem:s14], [sflag:$0x2], $0x2000, s8, s13, $0x20;
	[tilespmem:$0x8080] =	vst v63  }
.LBB1_5:
0x14: {  	s14 =	sadd.s32 $0x1, s9  }
0x15: {  	s12 =	sadd.s32 $0x1000, s10;
	s16 =	smov.u32 s10;
	p2 =	sgt.s32 s14, $0xC7  }
0x16: {  	s16 =	smov.u32 @p2 s12  }
0x17: {  	s14 =	simm.s32 @p2 $0x0;
	p2 =	sgt.s32 s16, $0xFFF  }
0x18: {  	s16 =	smov.u32 @p2 s2;
	p2 =	sne.s32 s11, s7  }
.Ltmp1:
0x19: {  	p1 =	slt.u32 s11, $0x2;
	(pc) =	sbr.rel @!p2 .LBB1_6-.Ltmp1, $4  }
0x1a: {  	s15 =	simm.s32 @!p1 $0x2  }
0x1b: {  	s13 =	smov.u32 s10;
	p0 =	por !p0, !p0;
	_ =	swait.ge @!p1 [sflag:s15], $0x2000  }
0x1c: {  	s12 =	smov.u32 s9;
	[sflag:s15] =	ssyncset.done @!p1 $0x0;
	s9 =	smov.u32 s14  }
0x1d: {  	s11 =	sadd.s32 $0x1, s11;
	[sflag:s15] =	ssyncadd.s32 @!p1 $0xFFFFE000;
	s10 =	smov.u32 s16  }
.LBB1_1:
0x1e: {  	p1 =	sge.u32 s11, s5  }
0x1f: {  	s14 =	sand.u32 @!p1 $0x1FFFFFF, s9  }
0x20: {  	s15 =	smulhi.u32 @!p1 $0x147AE15, s14;
	_ =	sdelay $0x1  }
0x21: {  	s15 =	smul.u32 @!p1 $0xC8, s15  }
0x22: {  	s16 =	sxor.u32 @!p1 $0xFFFFFFFF, s11;
	s17 =	smul.u32 @!p1 $0xC80, s10  }
0x23: {  	s31 =	sadd.s32 $0xFFFFFFFF, s11;
	s16 =	sshll.u32 @!p1 s16, $0xD;
	s14 =	ssub.s32 @!p1 s14, s15  }
0x24: {  	s15 =	sand.u32 @!p1 $0x2000, s16;
	s16 =	sadd.s32 @!p1 s6, s17;
	s14 =	sshll.u32 @!p1 s14, $0x4  }
0x25: {  	s17 =	simm.s32 @!p1 $0x6400;
	s14 =	sadd.s32 @!p1 s14, s16;
	s16 =	simm.s32 @!p1 $0x40  }
0x26: {  	[tilespmem:s15], [sflag:$0x1] =	stream.strided.gather @!p1 [hbm4b:s14+s16], $0x2000, s17, s16, $0x38;
	[tilespmem:$0x8080] =	vst v63  }
0x27: {  	p1 =	sge.u32 s31, s5  }
.Ltmp2:
0x28: {  	_ = 	snop;
	(pc) =	sbr.rel @p1 .LBB1_5-.Ltmp2, $1  }
0x29: {  	_ =	sdelay $0x3  }
0x2a: {  	s14 =	simm.s32 $0x1  }
0x2b: {  	_ =	swait.ge [sflag:s4], $0x2000;
	s14 =	simm.s32 @!p0 $0x0  }
0x2c: {  	[sflag:s4] =	ssyncset.done $0x0;
	s15 =	sshll.u32 s14, $0xD  }
0x2d: {  	[sflag:s4] =	ssyncadd.s32 $0xFFFFE000;
	s18 =	sor.u32 $0x20, s15  }
0x2e: {  	s14 =	smul.u32 $0x8100, s14;
	v3 =	vld [tilespmem:s18+$0x10]  }
0x2f: {  	s30 =	sand.u32 $0x1, s11;
	v2 =	vld [tilespmem:s18+$0xFFFFFFF0]  }
0x30: {  	s15 =	smul.u32 $0x8100, s30;
	s14 =	sshrl.u32 s14, $0x2;
	v0 =	vld [tilespmem:s18+$0x0]  }
0x31: {  	v1 =	vld [tilespmem:s18+$0xFFFFFFE0];
	s16 =	sor.u32 $0x4000, s14  }
0x32: {  	s31 =	sshrl.u32 s15, $0x2;
	s15 =	sadd.s32 $0x0, s16  }
0x33: {  	s17 =	simm.s32 $0x4;
	s18 =	sadd.s32 $0x40, s18;
	s14 =	sor.u32 $0x4000, s31;
	[tilespmem:s15+$0x1830 ss:$0x81] =	vst.msk $0xffff, v3  }
.LBB1_3:
0x34: {  	v3 =	vld [tilespmem:s18+$0x10];
	p1 =	sne.s32 s17, $0x1FC;
	[tilespmem:s15+$0x810 ss:$0x81] =	vst.msk $0xffff, v2;
	s19 =	smov.u32 s17;
	s17 =	sadd.s32 $0x4, s17  }
.Ltmp3:
0x35: {  	v2 =	vld [tilespmem:s18+$0xFFFFFFF0];
	[tilespmem:s15+$0x1020 ss:$0x81] =	vst.msk $0xffff, v0;
	(pc) =	sbr.rel @p1 .LBB1_3-.Ltmp3, $4  }
0x36: {  	v0 =	vld [tilespmem:s18+$0x0];
	[tilespmem:s15+$0x0 ss:$0x81] =	vst.msk $0xffff, v1  }
0x37: {  	s15 =	sshra.s32 s19, $0x2;
	v1 =	vld [tilespmem:s18+$0xFFFFFFE0]  }
0x38: {  	s15 =	sadd.s32 s15, s16  }
0x39: {  	s18 =	sadd.s32 $0x40, s18;
	[tilespmem:s15+$0x1830 ss:$0x81] =	vst.msk $0xffff, v3  }
.Ltmp4:
0x3a: {  	_ = 	snop;
	(pc) =	sbr.rel .LBB1_4-.Ltmp4, $1  }
0x3b: {  	_ =	sdelay $0x3  }
.LBB1_6:
0x3c: {  	_ =	sfence.sel $0x180000  }
0x3d: {  	s2 =	simm.s32 $0x1;
	[bflag:$0x0] =	sbarrier.arrive $0xFFFF  }
0x3e: {  	s31 =	simm.s32 $0x2;
	[sflag:s2] =	ssyncpa.u1 $0x1  }
0x3f: {  	[sflag:s31] =	ssyncpa.u1 $0x1  }
0x40: {  	p0 =	sne.s32 s0, $0x0;
	_ =	strace $0x9000004A  }
0x41: {  	s0 =	sadd.s32 @!p0 $0x100000, s1;
	[bflag:$0x2] =	sbarrier.arrive $0xFFFF  }
0x42: {  	[sflag:s0] =	ssyncadd.tile.s32 @!p0 $0x1;
	_ =	shalt  }
.Lfunc_end1:
_tile_overlayer_lowered:
.L_overlay_start_2:
0x43: {  	(tag) =	ssettag $0x2  }
0x44: {  	s0 =	rddreg [dreg:$0x0];
	s2 =	stileid.u32  }
0x45: {  	s1 =	rddreg [dreg:$0x1];
	p0 =	sne.s32 s2, $0x0  }
0x46: {  	s3 =	rddreg [dreg:$0x2];
	[bflag:$0x3] =	sbarrier.arrive $0xFFFF;
	s2 =	simm.s32 @!p0 $0x1C01  }
0x47: {  	[timem:s3], [sflag:s2] =	dma.local @!p0 [hbm:s0], s1  }
0x48: {  	s0 =	simm.s32 @!p0 $0x1  }
0x49: {  	_ =	swait.ge @!p0 [sflag:s0], s1  }
0x4a: {  	s1 =	ssub.s32 @!p0 $0x0, s1;
	[sflag:s0] =	ssyncset.done @!p0 $0x0  }
0x4b: {  	[sflag:s0] =	ssyncadd.s32 @!p0 s1  }
0x4c: {  	[bflag:$0x3] =	sbarrier.arrive $0xFFFF  }
0x4d: {  	_ =	shalt  }

</sc_bundles>
